<compile_context>
chip_gen: v7x
topology: tpu7x:2x2x1
jax: 0.10.2.dev20260603
libtpu: 0.0.44.dev20260713+nightly
codegen_flags: <defaults>
</compile_context>

<pallas_src>
import jax
import jax.numpy as jnp
from jax import lax
from jax.experimental import pallas as pl
from jax.experimental.pallas import tpu as pltpu
from jax.experimental.pallas import tpu_sc as plsc

_N = 10000
_E = 320000
_D = 128
_G = 64
_EPS = 1e-5

_NSC = 2
_NTILE = 16
_NW = _NSC * _NTILE
_N_PAD = 10240
_RPT = _N_PAD // _NTILE
_DUMMY = 10008
_CHUNK = 128
_EPW = _E // _NW
_CPT = 79
_EPT = _CPT * _CHUNK
_GRP = 8
_NGRP = _CPT // _GRP
_CBYTES = _CHUNK * _D * 4
_RBYTES = _GRP * _CHUNK * 4
_DEG_STEPS = _EPW // 16



def _sc_deg_body(dst_hbm, zeros_hbm, out_hbm, dbuf, acc):
    c = lax.axis_index("c")
    s = lax.axis_index("s")
    w = c * _NTILE + s
    pltpu.sync_copy(dst_hbm.at[pl.ds(w * _EPW, _EPW)], dbuf)
    pltpu.sync_copy(zeros_hbm, acc)
    ones = jnp.ones((16,), jnp.float32)

    def step(i, carry):
        idx = dbuf[pl.ds(i * 16, 16)]
        plsc.addupdate_scatter(acc, [idx], ones)
        return carry

    lax.fori_loop(0, _DEG_STEPS, step, 0)
    pltpu.sync_copy(acc, out_hbm.at[w])


def _sc_agg_body(y_hbm, src_hbm, dst_hbm, zeros_hbm, out_hbm,
                 src_v, dst_v, buf, acc_sh):
    c = lax.axis_index("c")
    s = lax.axis_index("s")
    pltpu.sync_copy(zeros_hbm, acc_sh.at[pl.ds(s * _RPT, _RPT)])
    pltpu.sync_copy(src_hbm.at[c, s], src_v)
    pltpu.sync_copy(dst_hbm.at[c, s], dst_v)
    plsc.subcore_barrier()

    def chunk(j, carry):
        pltpu.sync_copy(y_hbm.at[src_v.at[j]], buf)
        pltpu.sync_copy(buf, acc_sh.at[dst_v.at[j]], add=True)
        return carry

    lax.fori_loop(0, _CPT, chunk, 0)
    plsc.subcore_barrier()
    pltpu.sync_copy(acc_sh.at[pl.ds(s * _RPT, _RPT)],
                    out_hbm.at[c, pl.ds(s * _RPT, _RPT)])


def _get_mesh():
    return plsc.VectorSubcoreMesh(core_axis_name="c", subcore_axis_name="s")


def _sc_deg(dst, zeros_n):
    fn = pl.kernel(
        _sc_deg_body,
        out_type=jax.ShapeDtypeStruct((_NW, _N_PAD), jnp.float32),
        mesh=_get_mesh(),
        scratch_types=[
            pltpu.VMEM((_EPW,), jnp.int32),
            pltpu.VMEM((_N_PAD,), jnp.float32),
        ],
        compiler_params=pltpu.CompilerParams(needs_layout_passes=False),
    )
    return fn(dst, zeros_n)


def _sc_agg(y, src_pp, dst_pp, zeros_c):
    fn = pl.kernel(
        _sc_agg_body,
        out_type=jax.ShapeDtypeStruct((_NSC, _N_PAD, _D), jnp.float32),
        mesh=_get_mesh(),
        scratch_types=[
            pltpu.VMEM((_CPT, _CHUNK), jnp.int32),
            pltpu.VMEM((_CPT, _CHUNK), jnp.int32),
            pltpu.VMEM((_CHUNK, _D), jnp.float32),
            pltpu.VMEM_SHARED((_N_PAD, _D), jnp.float32),
        ],
    )
    return fn(y, src_pp, dst_pp, zeros_c)



def _mm(a, b):
    return jnp.dot(a.astype(jnp.bfloat16), b.astype(jnp.bfloat16),
                   preferred_element_type=jnp.float32)


def _bn_relu(t, g, be):
    mu = jnp.mean(t, axis=0)
    var = jnp.mean((t - mu) ** 2, axis=0)
    return jnp.maximum((t - mu) * lax.rsqrt(var + _EPS) * g + be, 0.0)


def _tc_pre_body(x_ref, w1_ref, wproj_ref, degp_ref,
                 dinv_ref, id_ref, y_ref):
    deg = jnp.sum(degp_ref[...], axis=0)[:_N] + 1.0
    dinv = lax.rsqrt(deg)
    dinv_ref[...] = dinv
    x = x_ref[...]
    id_ref[...] = _mm(x, wproj_ref[...])
    xw = _mm(x, w1_ref[...])
    y_ref[pl.ds(0, _N), :] = xw * dinv[:, None]


def _tc_mid_body(part_ref, y_ref, id_ref, dinv_ref, b_ref, g_ref, be_ref,
                 wn_ref, h_ref, ynext_ref):
    dinv = dinv_ref[...]
    s = part_ref[0, :_N, :] + part_ref[1, :_N, :]
    t = (s + y_ref[pl.ds(0, _N), :]) * dinv[:, None] + b_ref[...]
    h = _bn_relu(t, g_ref[...], be_ref[...]) + id_ref[...]
    h_ref[...] = h
    hw = _mm(h, wn_ref[...])
    ynext_ref[pl.ds(0, _N), :] = hw * dinv[:, None]


def _tc_post_body(part_ref, y_ref, id_ref, dinv_ref, b_ref, g_ref, be_ref,
                  batch_ref, wpre_ref, bpre_ref, gf_ref, bef_ref,
                  wout_ref, bout_ref, out_ref):
    dinv = dinv_ref[...]
    s = part_ref[0, :_N, :] + part_ref[1, :_N, :]
    t = (s + y_ref[pl.ds(0, _N), :]) * dinv[:, None] + b_ref[...]
    h = _bn_relu(t, g_ref[...], be_ref[...]) + id_ref[...]
    gids = lax.broadcasted_iota(jnp.int32, (_G, _N), 0)
    oh = (batch_ref[...][None, :] == gids).astype(jnp.float32)
    sums = jnp.dot(oh, h, preferred_element_type=jnp.float32,
                   precision=lax.Precision.HIGHEST)
    cnt = jnp.sum(oh, axis=1)
    pooled = sums / jnp.maximum(cnt, 1.0)[:, None]
    h2 = _mm(pooled, wpre_ref[...]) + bpre_ref[...]
    h2 = _bn_relu(h2, gf_ref[...], bef_ref[...])
    out_ref[...] = _mm(h2, wout_ref[...]) + bout_ref[...]


def _tc_pre(x, w1, wproj, degp):
    return pl.pallas_call(
        _tc_pre_body,
        out_shape=[
            jax.ShapeDtypeStruct((_N,), jnp.float32),
            jax.ShapeDtypeStruct((_N, _D), jnp.float32),
            jax.ShapeDtypeStruct((_N_PAD, _D), jnp.float32),
        ],
    )(x, w1, wproj, degp)


def _tc_mid(part, y, ident, dinv, b, g, be, wn):
    return pl.pallas_call(
        _tc_mid_body,
        out_shape=[
            jax.ShapeDtypeStruct((_N, _D), jnp.float32),
            jax.ShapeDtypeStruct((_N_PAD, _D), jnp.float32),
        ],
    )(part, y, ident, dinv, b, g, be, wn)


def _tc_post(part, y, ident, dinv, b, g, be, batch,
             wpre, bpre, gf, bef, wout, bout):
    return pl.pallas_call(
        _tc_post_body,
        out_shape=jax.ShapeDtypeStruct((_G, 1), jnp.float32),
    )(part, y, ident, dinv, b, g, be, batch,
      wpre, bpre, gf, bef, wout, bout)


def kernel(x, edge_index, batch, W1, b1, W2, b2, W3, b3, W4, b4, Wproj,
           g1, be1, g2, be2, g3, be3, g4, be4, Wpre, bpre, gf, bef,
           Wout, bout):
    src = edge_index[0]
    dst = edge_index[1]
    srcp = jnp.pad(src.reshape(_NW, _EPW), ((0, 0), (0, _EPT - _EPW)),
                   constant_values=_DUMMY)
    dstp = jnp.pad(dst.reshape(_NW, _EPW), ((0, 0), (0, _EPT - _EPW)),
                   constant_values=_DUMMY)
    src_pp = srcp.reshape(_NSC, _NTILE, _CPT, _CHUNK)
    dst_pp = dstp.reshape(_NSC, _NTILE, _CPT, _CHUNK)
    zeros_n = jnp.zeros((_N_PAD,), jnp.float32)
    zeros_c = jnp.zeros((_RPT, _D), jnp.float32)

    degp = _sc_deg(dst, zeros_n)
    dinv, ident, y = _tc_pre(x, W1, Wproj, degp)

    part = _sc_agg(y, src_pp, dst_pp, zeros_c)
    ident, y = _tc_mid(part, y, ident, dinv, b1, g1, be1, W2)

    part = _sc_agg(y, src_pp, dst_pp, zeros_c)
    ident, y = _tc_mid(part, y, ident, dinv, b2, g2, be2, W3)

    part = _sc_agg(y, src_pp, dst_pp, zeros_c)
    ident, y = _tc_mid(part, y, ident, dinv, b3, g3, be3, W4)

    part = _sc_agg(y, src_pp, dst_pp, zeros_c)
    return _tc_post(part, y, ident, dinv, b4, g4, be4, batch,
                    Wpre, bpre, gf, bef, Wout, bout)

# --- scband reference (transcript-rebuilt; emitter-appended) ---
"""Pipeline reference for scband-improved-advanced-gcn-4329327034533 (READ-ONLY COPY).

The authoritative reference and input builder live on the scoring server;
editing this copy changes nothing except your own understanding.
"""

import jax, jax.numpy as jnp
import numpy as np

N = 10000
E = 320000
D = 128
H = 128
G = 64
EPS = 1e-5


def _bn(x, g, b):
    mu = jnp.mean(x, axis=0)
    var = jnp.var(x, axis=0)
    return (x - mu) * jax.lax.rsqrt(var + EPS) * g + b


def _gcn(x, src, dst, W, b):
    loop = jnp.arange(N, dtype=src.dtype)
    s = jnp.concatenate([src, loop])
    d = jnp.concatenate([dst, loop])
    deg = jax.ops.segment_sum(jnp.ones_like(d, dtype=jnp.float32), d, num_segments=N)
    dinv = jnp.where(deg > 0, jax.lax.rsqrt(deg), 0.0)
    norm = dinv[s] * dinv[d]
    xw = x @ W
    out = jax.ops.segment_sum(xw[s] * norm[:, None], d, num_segments=N)
    return out + b


def setup_inputs(seed: int = 0):
    key = jax.random.key(seed)
    ks = jax.random.split(key, 16)
    inp = {}
    inp["x"] = jax.random.normal(ks[0], (N, D), dtype=jnp.float32)
    inp["edge_index"] = jax.random.randint(ks[1], (2, E), 0, N, dtype=jnp.int32)
    inp["batch"] = jnp.sort(jax.random.randint(ks[2], (N,), 0, G, dtype=jnp.int32))
    s = 1.0 / np.sqrt(H)
    inp["W1"] = jax.random.uniform(ks[3], (D, H), jnp.float32, -s, s)
    inp["b1"] = jnp.zeros((H,), jnp.float32)
    inp["W2"] = jax.random.uniform(ks[4], (H, H), jnp.float32, -s, s)
    inp["b2"] = jnp.zeros((H,), jnp.float32)
    inp["W3"] = jax.random.uniform(ks[5], (H, H), jnp.float32, -s, s)
    inp["b3"] = jnp.zeros((H,), jnp.float32)
    inp["W4"] = jax.random.uniform(ks[6], (H, H), jnp.float32, -s, s)
    inp["b4"] = jnp.zeros((H,), jnp.float32)
    inp["Wproj"] = jax.random.uniform(ks[7], (D, H), jnp.float32, -s, s)
    for i in range(1, 5):
        inp["g%d" % i] = jnp.ones((H,), jnp.float32)
        inp["be%d" % i] = jnp.zeros((H,), jnp.float32)
    inp["Wpre"] = jax.random.uniform(ks[8], (H, H // 2), jnp.float32, -s, s)
    inp["bpre"] = jnp.zeros((H // 2,), jnp.float32)
    inp["gf"] = jnp.ones((H // 2,), jnp.float32)
    inp["bef"] = jnp.zeros((H // 2,), jnp.float32)
    s2 = 1.0 / np.sqrt(H // 2)
    inp["Wout"] = jax.random.uniform(ks[9], (H // 2, 1), jnp.float32, -s2, s2)
    inp["bout"] = jnp.zeros((1,), jnp.float32)
    return inp


def reference(x, edge_index, batch, W1, b1, W2, b2, W3, b3, W4, b4, Wproj,
              g1, be1, g2, be2, g3, be3, g4, be4, Wpre, bpre, gf, bef, Wout, bout):
    src, dst = edge_index[0], edge_index[1]
    identity = x @ Wproj
    h = jax.nn.relu(_bn(_gcn(x, src, dst, W1, b1), g1, be1)) + identity
    identity = h
    h = jax.nn.relu(_bn(_gcn(h, src, dst, W2, b2), g2, be2)) + identity  # dropout = identity (eval)
    identity = h
    h = jax.nn.relu(_bn(_gcn(h, src, dst, W3, b3), g3, be3)) + identity  # dropout = identity (eval)
    identity = h
    h = jax.nn.relu(_bn(_gcn(h, src, dst, W4, b4), g4, be4)) + identity
    sums = jax.ops.segment_sum(h, batch, num_segments=G)
    cnt = jax.ops.segment_sum(jnp.ones((N,), jnp.float32), batch, num_segments=G)
    pooled = sums / jnp.maximum(cnt, 1.0)[:, None]
    h2 = pooled @ Wpre + bpre
    h2 = jax.nn.relu(_bn(h2, gf, bef))
    return h2 @ Wout + bout

if __name__ == "__main__":
    import jax
    _d = setup_inputs()
    print(jax.jit(kernel)(*tuple(_d.values())))

</pallas_src>

<mosaic_0001>
#map = affine_map<(d0, d1) -> (0, 0)>
#map1 = affine_map<(d0, d1) -> (0, 0, 0, 0)>
#map2 = affine_map<(d0, d1) -> (0, 0, 0)>
module attributes {stable_mosaic.version = 14 : i64} {
  func.func @_sc_agg_body(%arg0: i32, %arg1: i32, %arg2: memref<10240x128xf32, #tpu.memory_space<hbm>>, %arg3: memref<2x16x79x128xi32, #tpu.memory_space<hbm>>, %arg4: memref<2x16x79x128xi32, #tpu.memory_space<hbm>>, %arg5: memref<640x128xf32, #tpu.memory_space<hbm>>, %arg6: memref<2x10240x128xf32, #tpu.memory_space<hbm>>, %arg7: memref<79x128xi32, #tpu.memory_space<vmem>>, %arg8: memref<79x128xi32, #tpu.memory_space<vmem>>, %arg9: memref<128x128xf32, #tpu.memory_space<vmem>>, %arg10: memref<10240x128xf32, #tpu.memory_space<vmem_shared>>) attributes {dimension_semantics = [#tpu.dimension_semantics<core_parallel>, #tpu.dimension_semantics<subcore_parallel>], iteration_bounds = array<i64: 2, 16>, scalar_prefetch = 0 : i64, scratch_operands = 4 : i64, tpu.core_type = #tpu.core_type<sc_vector_subcore>, window_params = [{transform_indices = #map}, {transform_indices = #map1}, {transform_indices = #map1}, {transform_indices = #map}, {transform_indices = #map2}]} {
    %mul3A = arith.constant 640 : i32
    %mul3A_0 = arith.muli %arg1, %mul3A : i32
    "tpu.region"() ({
      %run_scoped3A = tpu.sem_alloc : memref<!tpu.dma_semaphore, #tpu.memory_space<semaphore_mem>>
      %dma_start3A = arith.constant 0 : i32
      %dma_start3A_11 = tpu.memref_slice %arg10[%mul3A_0, %dma_start3A] : memref<10240x128xf32, #tpu.memory_space<vmem_shared>> -> memref<640x128xf32, #tpu.memory_space<vmem_shared>>
      tpu.enqueue_dma source(%arg5 : memref<640x128xf32, #tpu.memory_space<hbm>>) target(%dma_start3A_11 : memref<640x128xf32, #tpu.memory_space<vmem_shared>>) target_semaphore(%run_scoped3A : memref<!tpu.dma_semaphore, #tpu.memory_space<semaphore_mem>>)
      %dma_wait3A = arith.constant 0 : i32
      %dma_wait3A_12 = tpu.memref_slice %arg10[%mul3A_0, %dma_wait3A] : memref<10240x128xf32, #tpu.memory_space<vmem_shared>> -> memref<640x128xf32, #tpu.memory_space<vmem_shared>>
      tpu.wait_dma2 semaphore(%run_scoped3A : memref<!tpu.dma_semaphore, #tpu.memory_space<semaphore_mem>>) src(%arg5 : memref<640x128xf32, #tpu.memory_space<hbm>>) dst(%dma_wait3A_12 : memref<640x128xf32, #tpu.memory_space<vmem_shared>>)
      tpu.yield
    }) : () -> ()
    "tpu.region"() ({
      %run_scoped3A = tpu.sem_alloc : memref<!tpu.dma_semaphore, #tpu.memory_space<semaphore_mem>>
      %dma_start3A = arith.constant 0 : i32
      %dma_start3A_11 = arith.constant 0 : i32
      %dma_start3A_12 = tpu.memref_slice %arg3[%arg0, %arg1, %dma_start3A, %dma_start3A_11] : memref<2x16x79x128xi32, #tpu.memory_space<hbm>> -> memref<1x1x79x128xi32, #tpu.memory_space<hbm>>
      %dma_start3A_13 = tpu.memref_squeeze %dma_start3A_12 : memref<1x1x79x128xi32, #tpu.memory_space<hbm>> -> memref<79x128xi32, #tpu.memory_space<hbm>>
      %dma_start3A_14 = arith.constant 0 : i32
      %dma_start3A_15 = arith.constant 0 : i32
      %dma_start3A_16 = tpu.memref_slice %arg3[%arg0, %arg1, %dma_start3A_14, %dma_start3A_15] : memref<2x16x79x128xi32, #tpu.memory_space<hbm>> -> memref<1x1x79x128xi32, #tpu.memory_space<hbm>>
      %dma_start3A_17 = tpu.memref_squeeze %dma_start3A_16 : memref<1x1x79x128xi32, #tpu.memory_space<hbm>> -> memref<79x128xi32, #tpu.memory_space<hbm>>
      tpu.enqueue_dma source(%dma_start3A_17 : memref<79x128xi32, #tpu.memory_space<hbm>>) target(%arg7 : memref<79x128xi32, #tpu.memory_space<vmem>>) target_semaphore(%run_scoped3A : memref<!tpu.dma_semaphore, #tpu.memory_space<semaphore_mem>>)
      %dma_wait3A = arith.constant 0 : i32
      %dma_wait3A_18 = arith.constant 0 : i32
      %dma_wait3A_19 = tpu.memref_slice %arg3[%arg0, %arg1, %dma_wait3A, %dma_wait3A_18] : memref<2x16x79x128xi32, #tpu.memory_space<hbm>> -> memref<1x1x79x128xi32, #tpu.memory_space<hbm>>
      %dma_wait3A_20 = tpu.memref_squeeze %dma_wait3A_19 : memref<1x1x79x128xi32, #tpu.memory_space<hbm>> -> memref<79x128xi32, #tpu.memory_space<hbm>>
      %dma_wait3A_21 = arith.constant 0 : i32
      %dma_wait3A_22 = arith.constant 0 : i32
      %dma_wait3A_23 = tpu.memref_slice %arg3[%arg0, %arg1, %dma_wait3A_21, %dma_wait3A_22] : memref<2x16x79x128xi32, #tpu.memory_space<hbm>> -> memref<1x1x79x128xi32, #tpu.memory_space<hbm>>
      %dma_wait3A_24 = tpu.memref_squeeze %dma_wait3A_23 : memref<1x1x79x128xi32, #tpu.memory_space<hbm>> -> memref<79x128xi32, #tpu.memory_space<hbm>>
      tpu.wait_dma2 semaphore(%run_scoped3A : memref<!tpu.dma_semaphore, #tpu.memory_space<semaphore_mem>>) src(%dma_wait3A_24 : memref<79x128xi32, #tpu.memory_space<hbm>>) dst(%arg7 : memref<79x128xi32, #tpu.memory_space<vmem>>)
      tpu.yield
    }) : () -> ()
    "tpu.region"() ({
      %run_scoped3A = tpu.sem_alloc : memref<!tpu.dma_semaphore, #tpu.memory_space<semaphore_mem>>
      %dma_start3A = arith.constant 0 : i32
      %dma_start3A_11 = arith.constant 0 : i32
      %dma_start3A_12 = tpu.memref_slice %arg4[%arg0, %arg1, %dma_start3A, %dma_start3A_11] : memref<2x16x79x128xi32, #tpu.memory_space<hbm>> -> memref<1x1x79x128xi32, #tpu.memory_space<hbm>>
      %dma_start3A_13 = tpu.memref_squeeze %dma_start3A_12 : memref<1x1x79x128xi32, #tpu.memory_space<hbm>> -> memref<79x128xi32, #tpu.memory_space<hbm>>
      %dma_start3A_14 = arith.constant 0 : i32
      %dma_start3A_15 = arith.constant 0 : i32
      %dma_start3A_16 = tpu.memref_slice %arg4[%arg0, %arg1, %dma_start3A_14, %dma_start3A_15] : memref<2x16x79x128xi32, #tpu.memory_space<hbm>> -> memref<1x1x79x128xi32, #tpu.memory_space<hbm>>
      %dma_start3A_17 = tpu.memref_squeeze %dma_start3A_16 : memref<1x1x79x128xi32, #tpu.memory_space<hbm>> -> memref<79x128xi32, #tpu.memory_space<hbm>>
      tpu.enqueue_dma source(%dma_start3A_17 : memref<79x128xi32, #tpu.memory_space<hbm>>) target(%arg8 : memref<79x128xi32, #tpu.memory_space<vmem>>) target_semaphore(%run_scoped3A : memref<!tpu.dma_semaphore, #tpu.memory_space<semaphore_mem>>)
      %dma_wait3A = arith.constant 0 : i32
      %dma_wait3A_18 = arith.constant 0 : i32
      %dma_wait3A_19 = tpu.memref_slice %arg4[%arg0, %arg1, %dma_wait3A, %dma_wait3A_18] : memref<2x16x79x128xi32, #tpu.memory_space<hbm>> -> memref<1x1x79x128xi32, #tpu.memory_space<hbm>>
      %dma_wait3A_20 = tpu.memref_squeeze %dma_wait3A_19 : memref<1x1x79x128xi32, #tpu.memory_space<hbm>> -> memref<79x128xi32, #tpu.memory_space<hbm>>
      %dma_wait3A_21 = arith.constant 0 : i32
      %dma_wait3A_22 = arith.constant 0 : i32
      %dma_wait3A_23 = tpu.memref_slice %arg4[%arg0, %arg1, %dma_wait3A_21, %dma_wait3A_22] : memref<2x16x79x128xi32, #tpu.memory_space<hbm>> -> memref<1x1x79x128xi32, #tpu.memory_space<hbm>>
      %dma_wait3A_24 = tpu.memref_squeeze %dma_wait3A_23 : memref<1x1x79x128xi32, #tpu.memory_space<hbm>> -> memref<79x128xi32, #tpu.memory_space<hbm>>
      tpu.wait_dma2 semaphore(%run_scoped3A : memref<!tpu.dma_semaphore, #tpu.memory_space<semaphore_mem>>) src(%dma_wait3A_24 : memref<79x128xi32, #tpu.memory_space<hbm>>) dst(%arg8 : memref<79x128xi32, #tpu.memory_space<vmem>>)
      tpu.yield
    }) : () -> ()
    %barrier3A = arith.constant 0 : index
    tpu.barrier barrier_id(%barrier3A)
    %scan3A = arith.constant 0 : i32
    %scan3A_1 = arith.constant 0 : i32
    %scan3A_2 = arith.constant 79 : i32
    %scan3A_3 = arith.addi %scan3A_1, %scan3A_2 : i32
    %scan3A_4 = arith.constant 1 : i32
    scf.for %scan3A_11 = %scan3A_1 to %scan3A_3 step %scan3A_4  : i32 {
      "tpu.region"() ({
        %run_scoped3A = tpu.sem_alloc : memref<!tpu.dma_semaphore, #tpu.memory_space<semaphore_mem>>
        %dma_start3A = arith.constant 0 : i32
        %dma_start3A_12 = tpu.memref_slice %arg7[%scan3A_11, %dma_start3A] : memref<79x128xi32, #tpu.memory_space<vmem>> -> memref<1x128xi32, #tpu.memory_space<vmem>>
        %dma_start3A_13 = tpu.memref_squeeze %dma_start3A_12 : memref<1x128xi32, #tpu.memory_space<vmem>> -> memref<128xi32, #tpu.memory_space<vmem>>
        %dma_start3A_14 = arith.constant 0 : i32
        %dma_start3A_15 = arith.constant 0 : i32
        %dma_start3A_16 = tpu.memref_slice %arg2[%dma_start3A_14, %dma_start3A_15] : memref<10240x128xf32, #tpu.memory_space<hbm>> -> memref<10240x128xf32, #tpu.memory_space<hbm>>
        tpu.enqueue_indirect_dma source(%dma_start3A_16 : memref<10240x128xf32, #tpu.memory_space<hbm>>) target(%arg9 : memref<128x128xf32, #tpu.memory_space<vmem>>) offsets(%dma_start3A_13 : memref<128xi32, #tpu.memory_space<vmem>>) semaphore(%run_scoped3A : memref<!tpu.dma_semaphore, #tpu.memory_space<semaphore_mem>>)
        %dma_wait3A = arith.constant 0 : i32
        %dma_wait3A_17 = tpu.memref_slice %arg7[%scan3A_11, %dma_wait3A] : memref<79x128xi32, #tpu.memory_space<vmem>> -> memref<1x128xi32, #tpu.memory_space<vmem>>
        %dma_wait3A_18 = tpu.memref_squeeze %dma_wait3A_17 : memref<1x128xi32, #tpu.memory_space<vmem>> -> memref<128xi32, #tpu.memory_space<vmem>>
        %dma_wait3A_19 = arith.constant 0 : i32
        %dma_wait3A_20 = arith.constant 0 : i32
        %dma_wait3A_21 = tpu.memref_slice %arg2[%dma_wait3A_19, %dma_wait3A_20] : memref<10240x128xf32, #tpu.memory_space<hbm>> -> memref<10240x128xf32, #tpu.memory_space<hbm>>
        tpu.wait_indirect_dma semaphore(%run_scoped3A : memref<!tpu.dma_semaphore, #tpu.memory_space<semaphore_mem>>) src(%dma_wait3A_21 : memref<10240x128xf32, #tpu.memory_space<hbm>>) dst(%arg9 : memref<128x128xf32, #tpu.memory_space<vmem>>)
        tpu.yield
      }) : () -> ()
      "tpu.region"() ({
        %run_scoped3A = tpu.sem_alloc : memref<!tpu.dma_semaphore, #tpu.memory_space<semaphore_mem>>
        %dma_start3A = arith.constant 0 : i32
        %dma_start3A_12 = tpu.memref_slice %arg8[%scan3A_11, %dma_start3A] : memref<79x128xi32, #tpu.memory_space<vmem>> -> memref<1x128xi32, #tpu.memory_space<vmem>>
        %dma_start3A_13 = tpu.memref_squeeze %dma_start3A_12 : memref<1x128xi32, #tpu.memory_space<vmem>> -> memref<128xi32, #tpu.memory_space<vmem>>
        %dma_start3A_14 = arith.constant 0 : i32
        %dma_start3A_15 = arith.constant 0 : i32
        %dma_start3A_16 = tpu.memref_slice %arg10[%dma_start3A_14, %dma_start3A_15] : memref<10240x128xf32, #tpu.memory_space<vmem_shared>> -> memref<10240x128xf32, #tpu.memory_space<vmem_shared>>
        tpu.enqueue_indirect_dma source(%arg9 : memref<128x128xf32, #tpu.memory_space<vmem>>) target(%dma_start3A_16 : memref<10240x128xf32, #tpu.memory_space<vmem_shared>>) offsets(%dma_start3A_13 : memref<128xi32, #tpu.memory_space<vmem>>) semaphore(%run_scoped3A : memref<!tpu.dma_semaphore, #tpu.memory_space<semaphore_mem>>) {add = true}
        %dma_wait3A = arith.constant 0 : i32
        %dma_wait3A_17 = tpu.memref_slice %arg8[%scan3A_11, %dma_wait3A] : memref<79x128xi32, #tpu.memory_space<vmem>> -> memref<1x128xi32, #tpu.memory_space<vmem>>
        %dma_wait3A_18 = tpu.memref_squeeze %dma_wait3A_17 : memref<1x128xi32, #tpu.memory_space<vmem>> -> memref<128xi32, #tpu.memory_space<vmem>>
        %dma_wait3A_19 = arith.constant 0 : i32
        %dma_wait3A_20 = arith.constant 0 : i32
        %dma_wait3A_21 = tpu.memref_slice %arg10[%dma_wait3A_19, %dma_wait3A_20] : memref<10240x128xf32, #tpu.memory_space<vmem_shared>> -> memref<10240x128xf32, #tpu.memory_space<vmem_shared>>
        tpu.wait_indirect_dma semaphore(%run_scoped3A : memref<!tpu.dma_semaphore, #tpu.memory_space<semaphore_mem>>) src(%arg9 : memref<128x128xf32, #tpu.memory_space<vmem>>) dst(%dma_wait3A_21 : memref<10240x128xf32, #tpu.memory_space<vmem_shared>>)
        tpu.yield
      }) : () -> ()
    }
    %scan3A_5 = arith.constant 79 : i32
    %barrier3A_6 = arith.constant 0 : index
    tpu.barrier barrier_id(%barrier3A_6)
    %mul3A_7 = arith.constant 640 : i32
    %mul3A_8 = arith.muli %arg1, %mul3A_7 : i32
    %mul3A_9 = arith.constant 640 : i32
    %mul3A_10 = arith.muli %arg1, %mul3A_9 : i32
    "tpu.region"() ({
      %run_scoped3A = tpu.sem_alloc : memref<!tpu.dma_semaphore, #tpu.memory_space<semaphore_mem>>
      %dma_start3A = arith.constant 0 : i32
      %dma_start3A_11 = tpu.memref_slice %arg6[%arg0, %mul3A_10, %dma_start3A] : memref<2x10240x128xf32, #tpu.memory_space<hbm>> -> memref<1x640x128xf32, #tpu.memory_space<hbm>>
      %dma_start3A_12 = tpu.memref_squeeze %dma_start3A_11 : memref<1x640x128xf32, #tpu.memory_space<hbm>> -> memref<640x128xf32, #tpu.memory_space<hbm>>
      %dma_start3A_13 = arith.constant 0 : i32
      %dma_start3A_14 = tpu.memref_slice %arg10[%mul3A_8, %dma_start3A_13] : memref<10240x128xf32, #tpu.memory_space<vmem_shared>> -> memref<640x128xf32, #tpu.memory_space<vmem_shared>>
      tpu.enqueue_dma source(%dma_start3A_14 : memref<640x128xf32, #tpu.memory_space<vmem_shared>>) target(%dma_start3A_12 : memref<640x128xf32, #tpu.memory_space<hbm>>) target_semaphore(%run_scoped3A : memref<!tpu.dma_semaphore, #tpu.memory_space<semaphore_mem>>)
      %dma_wait3A = arith.constant 0 : i32
      %dma_wait3A_15 = tpu.memref_slice %arg6[%arg0, %mul3A_10, %dma_wait3A] : memref<2x10240x128xf32, #tpu.memory_space<hbm>> -> memref<1x640x128xf32, #tpu.memory_space<hbm>>
      %dma_wait3A_16 = tpu.memref_squeeze %dma_wait3A_15 : memref<1x640x128xf32, #tpu.memory_space<hbm>> -> memref<640x128xf32, #tpu.memory_space<hbm>>
      %dma_wait3A_17 = arith.constant 0 : i32
      %dma_wait3A_18 = tpu.memref_slice %arg10[%mul3A_8, %dma_wait3A_17] : memref<10240x128xf32, #tpu.memory_space<vmem_shared>> -> memref<640x128xf32, #tpu.memory_space<vmem_shared>>
      tpu.wait_dma2 semaphore(%run_scoped3A : memref<!tpu.dma_semaphore, #tpu.memory_space<semaphore_mem>>) src(%dma_wait3A_18 : memref<640x128xf32, #tpu.memory_space<vmem_shared>>) dst(%dma_wait3A_16 : memref<640x128xf32, #tpu.memory_space<hbm>>)
      tpu.yield
    }) : () -> ()
    return
  }
}

#map = affine_map<(d0, d1) -> (0)>
#map1 = affine_map<(d0, d1) -> (0, 0)>
module attributes {stable_mosaic.version = 14 : i64} {
  func.func @_sc_deg_body(%arg0: i32, %arg1: i32, %arg2: memref<320000xi32, #tpu.memory_space<hbm>>, %arg3: memref<10240xf32, #tpu.memory_space<hbm>>, %arg4: memref<32x10240xf32, #tpu.memory_space<hbm>>, %arg5: memref<10000xi32, #tpu.memory_space<vmem>>, %arg6: memref<10240xf32, #tpu.memory_space<vmem>>) attributes {dimension_semantics = [#tpu.dimension_semantics<core_parallel>, #tpu.dimension_semantics<subcore_parallel>], iteration_bounds = array<i64: 2, 16>, scalar_prefetch = 0 : i64, scratch_operands = 2 : i64, tpu.core_type = #tpu.core_type<sc_vector_subcore>, window_params = [{transform_indices = #map}, {transform_indices = #map}, {transform_indices = #map1}]} {
    %mul3A = arith.constant 16 : i32
    %mul3A_0 = arith.muli %arg0, %mul3A : i32
    %add3A = arith.addi %mul3A_0, %arg1 : i32
    %mul3A_1 = arith.constant 10000 : i32
    %mul3A_2 = arith.muli %add3A, %mul3A_1 : i32
    "tpu.region"() ({
      %run_scoped3A = tpu.sem_alloc : memref<!tpu.dma_semaphore, #tpu.memory_space<semaphore_mem>>
      %dma_start3A = tpu.memref_slice %arg2[%mul3A_2] : memref<320000xi32, #tpu.memory_space<hbm>> -> memref<10000xi32, #tpu.memory_space<hbm>>
      %dma_start3A_9 = tpu.memref_slice %arg2[%mul3A_2] : memref<320000xi32, #tpu.memory_space<hbm>> -> memref<10000xi32, #tpu.memory_space<hbm>>
      tpu.enqueue_dma source(%dma_start3A_9 : memref<10000xi32, #tpu.memory_space<hbm>>) target(%arg5 : memref<10000xi32, #tpu.memory_space<vmem>>) target_semaphore(%run_scoped3A : memref<!tpu.dma_semaphore, #tpu.memory_space<semaphore_mem>>)
      %dma_wait3A = tpu.memref_slice %arg2[%mul3A_2] : memref<320000xi32, #tpu.memory_space<hbm>> -> memref<10000xi32, #tpu.memory_space<hbm>>
      %dma_wait3A_10 = tpu.memref_slice %arg2[%mul3A_2] : memref<320000xi32, #tpu.memory_space<hbm>> -> memref<10000xi32, #tpu.memory_space<hbm>>
      tpu.wait_dma2 semaphore(%run_scoped3A : memref<!tpu.dma_semaphore, #tpu.memory_space<semaphore_mem>>) src(%dma_wait3A_10 : memref<10000xi32, #tpu.memory_space<hbm>>) dst(%arg5 : memref<10000xi32, #tpu.memory_space<vmem>>)
      tpu.yield
    }) : () -> ()
    "tpu.region"() ({
      %run_scoped3A = tpu.sem_alloc : memref<!tpu.dma_semaphore, #tpu.memory_space<semaphore_mem>>
      tpu.enqueue_dma source(%arg3 : memref<10240xf32, #tpu.memory_space<hbm>>) target(%arg6 : memref<10240xf32, #tpu.memory_space<vmem>>) target_semaphore(%run_scoped3A : memref<!tpu.dma_semaphore, #tpu.memory_space<semaphore_mem>>)
      tpu.wait_dma2 semaphore(%run_scoped3A : memref<!tpu.dma_semaphore, #tpu.memory_space<semaphore_mem>>) src(%arg3 : memref<10240xf32, #tpu.memory_space<hbm>>) dst(%arg6 : memref<10240xf32, #tpu.memory_space<vmem>>)
      tpu.yield
    }) : () -> ()
    %broadcast_in_dim3A = arith.constant 1.000000e+00 : f32
    %broadcast_in_dim3A_3 = vector.broadcast %broadcast_in_dim3A : f32 to vector<16xf32>
    %scan3A = arith.constant 0 : i32
    %scan3A_4 = arith.constant 0 : i32
    %scan3A_5 = arith.constant 625 : i32
    %scan3A_6 = arith.addi %scan3A_4, %scan3A_5 : i32
    %scan3A_7 = arith.constant 1 : i32
    scf.for %scan3A_9 = %scan3A_4 to %scan3A_6 step %scan3A_7  : i32 {
      %mul3A_10 = arith.constant 16 : i32
      %mul3A_11 = arith.muli %scan3A_9, %mul3A_10 : i32
      %get3A = arith.index_cast %mul3A_11 : i32 to index
      %get3A_12 = tpu.vector_load %arg5[%get3A] {strides = array<i32>} : memref<10000xi32, #tpu.memory_space<vmem>>, vector<16xi32>,
      tpu.vector_store_idx %arg6[%get3A_12], %broadcast_in_dim3A_3 {add = true} : memref<10240xf32, #tpu.memory_space<vmem>>[vector<16xi32>], vector<16xf32>,
    }
    %scan3A_8 = arith.constant 625 : i32
    "tpu.region"() ({
      %run_scoped3A = tpu.sem_alloc : memref<!tpu.dma_semaphore, #tpu.memory_space<semaphore_mem>>
      %dma_start3A = arith.constant 0 : i32
      %dma_start3A_9 = tpu.memref_slice %arg4[%add3A, %dma_start3A] : memref<32x10240xf32, #tpu.memory_space<hbm>> -> memref<1x10240xf32, #tpu.memory_space<hbm>>
      %dma_start3A_10 = tpu.memref_squeeze %dma_start3A_9 : memref<1x10240xf32, #tpu.memory_space<hbm>> -> memref<10240xf32, #tpu.memory_space<hbm>>
      %dma_start3A_11 = arith.constant 0 : i32
      %dma_start3A_12 = tpu.memref_slice %arg4[%add3A, %dma_start3A_11] : memref<32x10240xf32, #tpu.memory_space<hbm>> -> memref<1x10240xf32, #tpu.memory_space<hbm>>
      %dma_start3A_13 = tpu.memref_squeeze %dma_start3A_12 : memref<1x10240xf32, #tpu.memory_space<hbm>> -> memref<10240xf32, #tpu.memory_space<hbm>>
      tpu.enqueue_dma source(%arg6 : memref<10240xf32, #tpu.memory_space<vmem>>) target(%dma_start3A_13 : memref<10240xf32, #tpu.memory_space<hbm>>) target_semaphore(%run_scoped3A : memref<!tpu.dma_semaphore, #tpu.memory_space<semaphore_mem>>)
      %dma_wait3A = arith.constant 0 : i32
      %dma_wait3A_14 = tpu.memref_slice %arg4[%add3A, %dma_wait3A] : memref<32x10240xf32, #tpu.memory_space<hbm>> -> memref<1x10240xf32, #tpu.memory_space<hbm>>
      %dma_wait3A_15 = tpu.memref_squeeze %dma_wait3A_14 : memref<1x10240xf32, #tpu.memory_space<hbm>> -> memref<10240xf32, #tpu.memory_space<hbm>>
      %dma_wait3A_16 = arith.constant 0 : i32
      %dma_wait3A_17 = tpu.memref_slice %arg4[%add3A, %dma_wait3A_16] : memref<32x10240xf32, #tpu.memory_space<hbm>> -> memref<1x10240xf32, #tpu.memory_space<hbm>>
      %dma_wait3A_18 = tpu.memref_squeeze %dma_wait3A_17 : memref<1x10240xf32, #tpu.memory_space<hbm>> -> memref<10240xf32, #tpu.memory_space<hbm>>
      tpu.wait_dma2 semaphore(%run_scoped3A : memref<!tpu.dma_semaphore, #tpu.memory_space<semaphore_mem>>) src(%arg6 : memref<10240xf32, #tpu.memory_space<vmem>>) dst(%dma_wait3A_18 : memref<10240xf32, #tpu.memory_space<hbm>>)
      tpu.yield
    }) : () -> ()
    return
  }
}

#map = affine_map<(d0, d1) -> (0, 0)>
#map1 = affine_map<(d0, d1) -> (0, 0, 0, 0)>
#map2 = affine_map<(d0, d1) -> (0, 0, 0)>
module attributes {stable_mosaic.version = 14 : i64} {
  func.func @_sc_agg_body(%arg0: i32, %arg1: i32, %arg2: memref<10240x128xf32, #tpu.memory_space<hbm>>, %arg3: memref<2x16x79x128xi32, #tpu.memory_space<hbm>>, %arg4: memref<2x16x79x128xi32, #tpu.memory_space<hbm>>, %arg5: memref<640x128xf32, #tpu.memory_space<hbm>>, %arg6: memref<2x10240x128xf32, #tpu.memory_space<hbm>>, %arg7: memref<79x128xi32, #tpu.memory_space<vmem>>, %arg8: memref<79x128xi32, #tpu.memory_space<vmem>>, %arg9: memref<128x128xf32, #tpu.memory_space<vmem>>, %arg10: memref<10240x128xf32, #tpu.memory_space<vmem_shared>>) attributes {dimension_semantics = [#tpu.dimension_semantics<core_parallel>, #tpu.dimension_semantics<subcore_parallel>], iteration_bounds = array<i64: 2, 16>, scalar_prefetch = 0 : i64, scratch_operands = 4 : i64, tpu.core_type = #tpu.core_type<sc_vector_subcore>, window_params = [{transform_indices = #map}, {transform_indices = #map1}, {transform_indices = #map1}, {transform_indices = #map}, {transform_indices = #map2}]} {
    %mul3A = arith.constant 640 : i32
    %mul3A_0 = arith.muli %arg1, %mul3A : i32
    "tpu.region"() ({
      %run_scoped3A = tpu.sem_alloc : memref<!tpu.dma_semaphore, #tpu.memory_space<semaphore_mem>>
      %dma_start3A = arith.constant 0 : i32
      %dma_start3A_11 = tpu.memref_slice %arg10[%mul3A_0, %dma_start3A] : memref<10240x128xf32, #tpu.memory_space<vmem_shared>> -> memref<640x128xf32, #tpu.memory_space<vmem_shared>>
      tpu.enqueue_dma source(%arg5 : memref<640x128xf32, #tpu.memory_space<hbm>>) target(%dma_start3A_11 : memref<640x128xf32, #tpu.memory_space<vmem_shared>>) target_semaphore(%run_scoped3A : memref<!tpu.dma_semaphore, #tpu.memory_space<semaphore_mem>>)
      %dma_wait3A = arith.constant 0 : i32
      %dma_wait3A_12 = tpu.memref_slice %arg10[%mul3A_0, %dma_wait3A] : memref<10240x128xf32, #tpu.memory_space<vmem_shared>> -> memref<640x128xf32, #tpu.memory_space<vmem_shared>>
      tpu.wait_dma2 semaphore(%run_scoped3A : memref<!tpu.dma_semaphore, #tpu.memory_space<semaphore_mem>>) src(%arg5 : memref<640x128xf32, #tpu.memory_space<hbm>>) dst(%dma_wait3A_12 : memref<640x128xf32, #tpu.memory_space<vmem_shared>>)
      tpu.yield
    }) : () -> ()
    "tpu.region"() ({
      %run_scoped3A = tpu.sem_alloc : memref<!tpu.dma_semaphore, #tpu.memory_space<semaphore_mem>>
      %dma_start3A = arith.constant 0 : i32
      %dma_start3A_11 = arith.constant 0 : i32
      %dma_start3A_12 = tpu.memref_slice %arg3[%arg0, %arg1, %dma_start3A, %dma_start3A_11] : memref<2x16x79x128xi32, #tpu.memory_space<hbm>> -> memref<1x1x79x128xi32, #tpu.memory_space<hbm>>
      %dma_start3A_13 = tpu.memref_squeeze %dma_start3A_12 : memref<1x1x79x128xi32, #tpu.memory_space<hbm>> -> memref<79x128xi32, #tpu.memory_space<hbm>>
      %dma_start3A_14 = arith.constant 0 : i32
      %dma_start3A_15 = arith.constant 0 : i32
      %dma_start3A_16 = tpu.memref_slice %arg3[%arg0, %arg1, %dma_start3A_14, %dma_start3A_15] : memref<2x16x79x128xi32, #tpu.memory_space<hbm>> -> memref<1x1x79x128xi32, #tpu.memory_space<hbm>>
      %dma_start3A_17 = tpu.memref_squeeze %dma_start3A_16 : memref<1x1x79x128xi32, #tpu.memory_space<hbm>> -> memref<79x128xi32, #tpu.memory_space<hbm>>
      tpu.enqueue_dma source(%dma_start3A_17 : memref<79x128xi32, #tpu.memory_space<hbm>>) target(%arg7 : memref<79x128xi32, #tpu.memory_space<vmem>>) target_semaphore(%run_scoped3A : memref<!tpu.dma_semaphore, #tpu.memory_space<semaphore_mem>>)
      %dma_wait3A = arith.constant 0 : i32
      %dma_wait3A_18 = arith.constant 0 : i32
      %dma_wait3A_19 = tpu.memref_slice %arg3[%arg0, %arg1, %dma_wait3A, %dma_wait3A_18] : memref<2x16x79x128xi32, #tpu.memory_space<hbm>> -> memref<1x1x79x128xi32, #tpu.memory_space<hbm>>
      %dma_wait3A_20 = tpu.memref_squeeze %dma_wait3A_19 : memref<1x1x79x128xi32, #tpu.memory_space<hbm>> -> memref<79x128xi32, #tpu.memory_space<hbm>>
      %dma_wait3A_21 = arith.constant 0 : i32
      %dma_wait3A_22 = arith.constant 0 : i32
      %dma_wait3A_23 = tpu.memref_slice %arg3[%arg0, %arg1, %dma_wait3A_21, %dma_wait3A_22] : memref<2x16x79x128xi32, #tpu.memory_space<hbm>> -> memref<1x1x79x128xi32, #tpu.memory_space<hbm>>
      %dma_wait3A_24 = tpu.memref_squeeze %dma_wait3A_23 : memref<1x1x79x128xi32, #tpu.memory_space<hbm>> -> memref<79x128xi32, #tpu.memory_space<hbm>>
      tpu.wait_dma2 semaphore(%run_scoped3A : memref<!tpu.dma_semaphore, #tpu.memory_space<semaphore_mem>>) src(%dma_wait3A_24 : memref<79x128xi32, #tpu.memory_space<hbm>>) dst(%arg7 : memref<79x128xi32, #tpu.memory_space<vmem>>)
      tpu.yield
    }) : () -> ()
    "tpu.region"() ({
      %run_scoped3A = tpu.sem_alloc : memref<!tpu.dma_semaphore, #tpu.memory_space<semaphore_mem>>
      %dma_start3A = arith.constant 0 : i32
      %dma_start3A_11 = arith.constant 0 : i32
      %dma_start3A_12 = tpu.memref_slice %arg4[%arg0, %arg1, %dma_start3A, %dma_start3A_11] : memref<2x16x79x128xi32, #tpu.memory_space<hbm>> -> memref<1x1x79x128xi32, #tpu.memory_space<hbm>>
      %dma_start3A_13 = tpu.memref_squeeze %dma_start3A_12 : memref<1x1x79x128xi32, #tpu.memory_space<hbm>> -> memref<79x128xi32, #tpu.memory_space<hbm>>
      %dma_start3A_14 = arith.constant 0 : i32
      %dma_start3A_15 = arith.constant 0 : i32
      %dma_start3A_16 = tpu.memref_slice %arg4[%arg0, %arg1, %dma_start3A_14, %dma_start3A_15] : memref<2x16x79x128xi32, #tpu.memory_space<hbm>> -> memref<1x1x79x128xi32, #tpu.memory_space<hbm>>
      %dma_start3A_17 = tpu.memref_squeeze %dma_start3A_16 : memref<1x1x79x128xi32, #tpu.memory_space<hbm>> -> memref<79x128xi32, #tpu.memory_space<hbm>>
      tpu.enqueue_dma source(%dma_start3A_17 : memref<79x128xi32, #tpu.memory_space<hbm>>) target(%arg8 : memref<79x128xi32, #tpu.memory_space<vmem>>) target_semaphore(%run_scoped3A : memref<!tpu.dma_semaphore, #tpu.memory_space<semaphore_mem>>)
      %dma_wait3A = arith.constant 0 : i32
      %dma_wait3A_18 = arith.constant 0 : i32
      %dma_wait3A_19 = tpu.memref_slice %arg4[%arg0, %arg1, %dma_wait3A, %dma_wait3A_18] : memref<2x16x79x128xi32, #tpu.memory_space<hbm>> -> memref<1x1x79x128xi32, #tpu.memory_space<hbm>>
      %dma_wait3A_20 = tpu.memref_squeeze %dma_wait3A_19 : memref<1x1x79x128xi32, #tpu.memory_space<hbm>> -> memref<79x128xi32, #tpu.memory_space<hbm>>
      %dma_wait3A_21 = arith.constant 0 : i32
      %dma_wait3A_22 = arith.constant 0 : i32
      %dma_wait3A_23 = tpu.memref_slice %arg4[%arg0, %arg1, %dma_wait3A_21, %dma_wait3A_22] : memref<2x16x79x128xi32, #tpu.memory_space<hbm>> -> memref<1x1x79x128xi32, #tpu.memory_space<hbm>>
      %dma_wait3A_24 = tpu.memref_squeeze %dma_wait3A_23 : memref<1x1x79x128xi32, #tpu.memory_space<hbm>> -> memref<79x128xi32, #tpu.memory_space<hbm>>
      tpu.wait_dma2 semaphore(%run_scoped3A : memref<!tpu.dma_semaphore, #tpu.memory_space<semaphore_mem>>) src(%dma_wait3A_24 : memref<79x128xi32, #tpu.memory_space<hbm>>) dst(%arg8 : memref<79x128xi32, #tpu.memory_space<vmem>>)
      tpu.yield
    }) : () -> ()
    %barrier3A = arith.constant 0 : index
    tpu.barrier barrier_id(%barrier3A)
    %scan3A = arith.constant 0 : i32
    %scan3A_1 = arith.constant 0 : i32
    %scan3A_2 = arith.constant 79 : i32
    %scan3A_3 = arith.addi %scan3A_1, %scan3A_2 : i32
    %scan3A_4 = arith.constant 1 : i32
    scf.for %scan3A_11 = %scan3A_1 to %scan3A_3 step %scan3A_4  : i32 {
      "tpu.region"() ({
        %run_scoped3A = tpu.sem_alloc : memref<!tpu.dma_semaphore, #tpu.memory_space<semaphore_mem>>
        %dma_start3A = arith.constant 0 : i32
        %dma_start3A_12 = tpu.memref_slice %arg7[%scan3A_11, %dma_start3A] : memref<79x128xi32, #tpu.memory_space<vmem>> -> memref<1x128xi32, #tpu.memory_space<vmem>>
        %dma_start3A_13 = tpu.memref_squeeze %dma_start3A_12 : memref<1x128xi32, #tpu.memory_space<vmem>> -> memref<128xi32, #tpu.memory_space<vmem>>
        %dma_start3A_14 = arith.constant 0 : i32
        %dma_start3A_15 = arith.constant 0 : i32
        %dma_start3A_16 = tpu.memref_slice %arg2[%dma_start3A_14, %dma_start3A_15] : memref<10240x128xf32, #tpu.memory_space<hbm>> -> memref<10240x128xf32, #tpu.memory_space<hbm>>
        tpu.enqueue_indirect_dma source(%dma_start3A_16 : memref<10240x128xf32, #tpu.memory_space<hbm>>) target(%arg9 : memref<128x128xf32, #tpu.memory_space<vmem>>) offsets(%dma_start3A_13 : memref<128xi32, #tpu.memory_space<vmem>>) semaphore(%run_scoped3A : memref<!tpu.dma_semaphore, #tpu.memory_space<semaphore_mem>>)
        %dma_wait3A = arith.constant 0 : i32
        %dma_wait3A_17 = tpu.memref_slice %arg7[%scan3A_11, %dma_wait3A] : memref<79x128xi32, #tpu.memory_space<vmem>> -> memref<1x128xi32, #tpu.memory_space<vmem>>
        %dma_wait3A_18 = tpu.memref_squeeze %dma_wait3A_17 : memref<1x128xi32, #tpu.memory_space<vmem>> -> memref<128xi32, #tpu.memory_space<vmem>>
        %dma_wait3A_19 = arith.constant 0 : i32
        %dma_wait3A_20 = arith.constant 0 : i32
        %dma_wait3A_21 = tpu.memref_slice %arg2[%dma_wait3A_19, %dma_wait3A_20] : memref<10240x128xf32, #tpu.memory_space<hbm>> -> memref<10240x128xf32, #tpu.memory_space<hbm>>
        tpu.wait_indirect_dma semaphore(%run_scoped3A : memref<!tpu.dma_semaphore, #tpu.memory_space<semaphore_mem>>) src(%dma_wait3A_21 : memref<10240x128xf32, #tpu.memory_space<hbm>>) dst(%arg9 : memref<128x128xf32, #tpu.memory_space<vmem>>)
        tpu.yield
      }) : () -> ()
      "tpu.region"() ({
        %run_scoped3A = tpu.sem_alloc : memref<!tpu.dma_semaphore, #tpu.memory_space<semaphore_mem>>
        %dma_start3A = arith.constant 0 : i32
        %dma_start3A_12 = tpu.memref_slice %arg8[%scan3A_11, %dma_start3A] : memref<79x128xi32, #tpu.memory_space<vmem>> -> memref<1x128xi32, #tpu.memory_space<vmem>>
        %dma_start3A_13 = tpu.memref_squeeze %dma_start3A_12 : memref<1x128xi32, #tpu.memory_space<vmem>> -> memref<128xi32, #tpu.memory_space<vmem>>
        %dma_start3A_14 = arith.constant 0 : i32
        %dma_start3A_15 = arith.constant 0 : i32
        %dma_start3A_16 = tpu.memref_slice %arg10[%dma_start3A_14, %dma_start3A_15] : memref<10240x128xf32, #tpu.memory_space<vmem_shared>> -> memref<10240x128xf32, #tpu.memory_space<vmem_shared>>
        tpu.enqueue_indirect_dma source(%arg9 : memref<128x128xf32, #tpu.memory_space<vmem>>) target(%dma_start3A_16 : memref<10240x128xf32, #tpu.memory_space<vmem_shared>>) offsets(%dma_start3A_13 : memref<128xi32, #tpu.memory_space<vmem>>) semaphore(%run_scoped3A : memref<!tpu.dma_semaphore, #tpu.memory_space<semaphore_mem>>) {add = true}
        %dma_wait3A = arith.constant 0 : i32
        %dma_wait3A_17 = tpu.memref_slice %arg8[%scan3A_11, %dma_wait3A] : memref<79x128xi32, #tpu.memory_space<vmem>> -> memref<1x128xi32, #tpu.memory_space<vmem>>
        %dma_wait3A_18 = tpu.memref_squeeze %dma_wait3A_17 : memref<1x128xi32, #tpu.memory_space<vmem>> -> memref<128xi32, #tpu.memory_space<vmem>>
        %dma_wait3A_19 = arith.constant 0 : i32
        %dma_wait3A_20 = arith.constant 0 : i32
        %dma_wait3A_21 = tpu.memref_slice %arg10[%dma_wait3A_19, %dma_wait3A_20] : memref<10240x128xf32, #tpu.memory_space<vmem_shared>> -> memref<10240x128xf32, #tpu.memory_space<vmem_shared>>
        tpu.wait_indirect_dma semaphore(%run_scoped3A : memref<!tpu.dma_semaphore, #tpu.memory_space<semaphore_mem>>) src(%arg9 : memref<128x128xf32, #tpu.memory_space<vmem>>) dst(%dma_wait3A_21 : memref<10240x128xf32, #tpu.memory_space<vmem_shared>>)
        tpu.yield
      }) : () -> ()
    }
    %scan3A_5 = arith.constant 79 : i32
    %barrier3A_6 = arith.constant 0 : index
    tpu.barrier barrier_id(%barrier3A_6)
    %mul3A_7 = arith.constant 640 : i32
    %mul3A_8 = arith.muli %arg1, %mul3A_7 : i32
    %mul3A_9 = arith.constant 640 : i32
    %mul3A_10 = arith.muli %arg1, %mul3A_9 : i32
    "tpu.region"() ({
      %run_scoped3A = tpu.sem_alloc : memref<!tpu.dma_semaphore, #tpu.memory_space<semaphore_mem>>
      %dma_start3A = arith.constant 0 : i32
      %dma_start3A_11 = tpu.memref_slice %arg6[%arg0, %mul3A_10, %dma_start3A] : memref<2x10240x128xf32, #tpu.memory_space<hbm>> -> memref<1x640x128xf32, #tpu.memory_space<hbm>>
      %dma_start3A_12 = tpu.memref_squeeze %dma_start3A_11 : memref<1x640x128xf32, #tpu.memory_space<hbm>> -> memref<640x128xf32, #tpu.memory_space<hbm>>
      %dma_start3A_13 = arith.constant 0 : i32
      %dma_start3A_14 = tpu.memref_slice %arg10[%mul3A_8, %dma_start3A_13] : memref<10240x128xf32, #tpu.memory_space<vmem_shared>> -> memref<640x128xf32, #tpu.memory_space<vmem_shared>>
      tpu.enqueue_dma source(%dma_start3A_14 : memref<640x128xf32, #tpu.memory_space<vmem_shared>>) target(%dma_start3A_12 : memref<640x128xf32, #tpu.memory_space<hbm>>) target_semaphore(%run_scoped3A : memref<!tpu.dma_semaphore, #tpu.memory_space<semaphore_mem>>)
      %dma_wait3A = arith.constant 0 : i32
      %dma_wait3A_15 = tpu.memref_slice %arg6[%arg0, %mul3A_10, %dma_wait3A] : memref<2x10240x128xf32, #tpu.memory_space<hbm>> -> memref<1x640x128xf32, #tpu.memory_space<hbm>>
      %dma_wait3A_16 = tpu.memref_squeeze %dma_wait3A_15 : memref<1x640x128xf32, #tpu.memory_space<hbm>> -> memref<640x128xf32, #tpu.memory_space<hbm>>
      %dma_wait3A_17 = arith.constant 0 : i32
      %dma_wait3A_18 = tpu.memref_slice %arg10[%mul3A_8, %dma_wait3A_17] : memref<10240x128xf32, #tpu.memory_space<vmem_shared>> -> memref<640x128xf32, #tpu.memory_space<vmem_shared>>
      tpu.wait_dma2 semaphore(%run_scoped3A : memref<!tpu.dma_semaphore, #tpu.memory_space<semaphore_mem>>) src(%dma_wait3A_18 : memref<640x128xf32, #tpu.memory_space<vmem_shared>>) dst(%dma_wait3A_16 : memref<640x128xf32, #tpu.memory_space<hbm>>)
      tpu.yield
    }) : () -> ()
    return
  }
}

#map = affine_map<(d0, d1) -> (0, 0)>
#map1 = affine_map<(d0, d1) -> (0, 0, 0, 0)>
#map2 = affine_map<(d0, d1) -> (0, 0, 0)>
module attributes {stable_mosaic.version = 14 : i64} {
  func.func @_sc_agg_body(%arg0: i32, %arg1: i32, %arg2: memref<10240x128xf32, #tpu.memory_space<hbm>>, %arg3: memref<2x16x79x128xi32, #tpu.memory_space<hbm>>, %arg4: memref<2x16x79x128xi32, #tpu.memory_space<hbm>>, %arg5: memref<640x128xf32, #tpu.memory_space<hbm>>, %arg6: memref<2x10240x128xf32, #tpu.memory_space<hbm>>, %arg7: memref<79x128xi32, #tpu.memory_space<vmem>>, %arg8: memref<79x128xi32, #tpu.memory_space<vmem>>, %arg9: memref<128x128xf32, #tpu.memory_space<vmem>>, %arg10: memref<10240x128xf32, #tpu.memory_space<vmem_shared>>) attributes {dimension_semantics = [#tpu.dimension_semantics<core_parallel>, #tpu.dimension_semantics<subcore_parallel>], iteration_bounds = array<i64: 2, 16>, scalar_prefetch = 0 : i64, scratch_operands = 4 : i64, tpu.core_type = #tpu.core_type<sc_vector_subcore>, window_params = [{transform_indices = #map}, {transform_indices = #map1}, {transform_indices = #map1}, {transform_indices = #map}, {transform_indices = #map2}]} {
    %mul3A = arith.constant 640 : i32
    %mul3A_0 = arith.muli %arg1, %mul3A : i32
    "tpu.region"() ({
      %run_scoped3A = tpu.sem_alloc : memref<!tpu.dma_semaphore, #tpu.memory_space<semaphore_mem>>
      %dma_start3A = arith.constant 0 : i32
      %dma_start3A_11 = tpu.memref_slice %arg10[%mul3A_0, %dma_start3A] : memref<10240x128xf32, #tpu.memory_space<vmem_shared>> -> memref<640x128xf32, #tpu.memory_space<vmem_shared>>
      tpu.enqueue_dma source(%arg5 : memref<640x128xf32, #tpu.memory_space<hbm>>) target(%dma_start3A_11 : memref<640x128xf32, #tpu.memory_space<vmem_shared>>) target_semaphore(%run_scoped3A : memref<!tpu.dma_semaphore, #tpu.memory_space<semaphore_mem>>)
      %dma_wait3A = arith.constant 0 : i32
      %dma_wait3A_12 = tpu.memref_slice %arg10[%mul3A_0, %dma_wait3A] : memref<10240x128xf32, #tpu.memory_space<vmem_shared>> -> memref<640x128xf32, #tpu.memory_space<vmem_shared>>
      tpu.wait_dma2 semaphore(%run_scoped3A : memref<!tpu.dma_semaphore, #tpu.memory_space<semaphore_mem>>) src(%arg5 : memref<640x128xf32, #tpu.memory_space<hbm>>) dst(%dma_wait3A_12 : memref<640x128xf32, #tpu.memory_space<vmem_shared>>)
      tpu.yield
    }) : () -> ()
    "tpu.region"() ({
      %run_scoped3A = tpu.sem_alloc : memref<!tpu.dma_semaphore, #tpu.memory_space<semaphore_mem>>
      %dma_start3A = arith.constant 0 : i32
      %dma_start3A_11 = arith.constant 0 : i32
      %dma_start3A_12 = tpu.memref_slice %arg3[%arg0, %arg1, %dma_start3A, %dma_start3A_11] : memref<2x16x79x128xi32, #tpu.memory_space<hbm>> -> memref<1x1x79x128xi32, #tpu.memory_space<hbm>>
      %dma_start3A_13 = tpu.memref_squeeze %dma_start3A_12 : memref<1x1x79x128xi32, #tpu.memory_space<hbm>> -> memref<79x128xi32, #tpu.memory_space<hbm>>
      %dma_start3A_14 = arith.constant 0 : i32
      %dma_start3A_15 = arith.constant 0 : i32
      %dma_start3A_16 = tpu.memref_slice %arg3[%arg0, %arg1, %dma_start3A_14, %dma_start3A_15] : memref<2x16x79x128xi32, #tpu.memory_space<hbm>> -> memref<1x1x79x128xi32, #tpu.memory_space<hbm>>
      %dma_start3A_17 = tpu.memref_squeeze %dma_start3A_16 : memref<1x1x79x128xi32, #tpu.memory_space<hbm>> -> memref<79x128xi32, #tpu.memory_space<hbm>>
      tpu.enqueue_dma source(%dma_start3A_17 : memref<79x128xi32, #tpu.memory_space<hbm>>) target(%arg7 : memref<79x128xi32, #tpu.memory_space<vmem>>) target_semaphore(%run_scoped3A : memref<!tpu.dma_semaphore, #tpu.memory_space<semaphore_mem>>)
      %dma_wait3A = arith.constant 0 : i32
      %dma_wait3A_18 = arith.constant 0 : i32
      %dma_wait3A_19 = tpu.memref_slice %arg3[%arg0, %arg1, %dma_wait3A, %dma_wait3A_18] : memref<2x16x79x128xi32, #tpu.memory_space<hbm>> -> memref<1x1x79x128xi32, #tpu.memory_space<hbm>>
      %dma_wait3A_20 = tpu.memref_squeeze %dma_wait3A_19 : memref<1x1x79x128xi32, #tpu.memory_space<hbm>> -> memref<79x128xi32, #tpu.memory_space<hbm>>
      %dma_wait3A_21 = arith.constant 0 : i32
      %dma_wait3A_22 = arith.constant 0 : i32
      %dma_wait3A_23 = tpu.memref_slice %arg3[%arg0, %arg1, %dma_wait3A_21, %dma_wait3A_22] : memref<2x16x79x128xi32, #tpu.memory_space<hbm>> -> memref<1x1x79x128xi32, #tpu.memory_space<hbm>>
      %dma_wait3A_24 = tpu.memref_squeeze %dma_wait3A_23 : memref<1x1x79x128xi32, #tpu.memory_space<hbm>> -> memref<79x128xi32, #tpu.memory_space<hbm>>
      tpu.wait_dma2 semaphore(%run_scoped3A : memref<!tpu.dma_semaphore, #tpu.memory_space<semaphore_mem>>) src(%dma_wait3A_24 : memref<79x128xi32, #tpu.memory_space<hbm>>) dst(%arg7 : memref<79x128xi32, #tpu.memory_space<vmem>>)
      tpu.yield
    }) : () -> ()
    "tpu.region"() ({
      %run_scoped3A = tpu.sem_alloc : memref<!tpu.dma_semaphore, #tpu.memory_space<semaphore_mem>>
      %dma_start3A = arith.constant 0 : i32
      %dma_start3A_11 = arith.constant 0 : i32
      %dma_start3A_12 = tpu.memref_slice %arg4[%arg0, %arg1, %dma_start3A, %dma_start3A_11] : memref<2x16x79x128xi32, #tpu.memory_space<hbm>> -> memref<1x1x79x128xi32, #tpu.memory_space<hbm>>
      %dma_start3A_13 = tpu.memref_squeeze %dma_start3A_12 : memref<1x1x79x128xi32, #tpu.memory_space<hbm>> -> memref<79x128xi32, #tpu.memory_space<hbm>>
      %dma_start3A_14 = arith.constant 0 : i32
      %dma_start3A_15 = arith.constant 0 : i32
      %dma_start3A_16 = tpu.memref_slice %arg4[%arg0, %arg1, %dma_start3A_14, %dma_start3A_15] : memref<2x16x79x128xi32, #tpu.memory_space<hbm>> -> memref<1x1x79x128xi32, #tpu.memory_space<hbm>>
      %dma_start3A_17 = tpu.memref_squeeze %dma_start3A_16 : memref<1x1x79x128xi32, #tpu.memory_space<hbm>> -> memref<79x128xi32, #tpu.memory_space<hbm>>
      tpu.enqueue_dma source(%dma_start3A_17 : memref<79x128xi32, #tpu.memory_space<hbm>>) target(%arg8 : memref<79x128xi32, #tpu.memory_space<vmem>>) target_semaphore(%run_scoped3A : memref<!tpu.dma_semaphore, #tpu.memory_space<semaphore_mem>>)
      %dma_wait3A = arith.constant 0 : i32
      %dma_wait3A_18 = arith.constant 0 : i32
      %dma_wait3A_19 = tpu.memref_slice %arg4[%arg0, %arg1, %dma_wait3A, %dma_wait3A_18] : memref<2x16x79x128xi32, #tpu.memory_space<hbm>> -> memref<1x1x79x128xi32, #tpu.memory_space<hbm>>
      %dma_wait3A_20 = tpu.memref_squeeze %dma_wait3A_19 : memref<1x1x79x128xi32, #tpu.memory_space<hbm>> -> memref<79x128xi32, #tpu.memory_space<hbm>>
      %dma_wait3A_21 = arith.constant 0 : i32
      %dma_wait3A_22 = arith.constant 0 : i32
      %dma_wait3A_23 = tpu.memref_slice %arg4[%arg0, %arg1, %dma_wait3A_21, %dma_wait3A_22] : memref<2x16x79x128xi32, #tpu.memory_space<hbm>> -> memref<1x1x79x128xi32, #tpu.memory_space<hbm>>
      %dma_wait3A_24 = tpu.memref_squeeze %dma_wait3A_23 : memref<1x1x79x128xi32, #tpu.memory_space<hbm>> -> memref<79x128xi32, #tpu.memory_space<hbm>>
      tpu.wait_dma2 semaphore(%run_scoped3A : memref<!tpu.dma_semaphore, #tpu.memory_space<semaphore_mem>>) src(%dma_wait3A_24 : memref<79x128xi32, #tpu.memory_space<hbm>>) dst(%arg8 : memref<79x128xi32, #tpu.memory_space<vmem>>)
      tpu.yield
    }) : () -> ()
    %barrier3A = arith.constant 0 : index
    tpu.barrier barrier_id(%barrier3A)
    %scan3A = arith.constant 0 : i32
    %scan3A_1 = arith.constant 0 : i32
    %scan3A_2 = arith.constant 79 : i32
    %scan3A_3 = arith.addi %scan3A_1, %scan3A_2 : i32
    %scan3A_4 = arith.constant 1 : i32
    scf.for %scan3A_11 = %scan3A_1 to %scan3A_3 step %scan3A_4  : i32 {
      "tpu.region"() ({
        %run_scoped3A = tpu.sem_alloc : memref<!tpu.dma_semaphore, #tpu.memory_space<semaphore_mem>>
        %dma_start3A = arith.constant 0 : i32
        %dma_start3A_12 = tpu.memref_slice %arg7[%scan3A_11, %dma_start3A] : memref<79x128xi32, #tpu.memory_space<vmem>> -> memref<1x128xi32, #tpu.memory_space<vmem>>
        %dma_start3A_13 = tpu.memref_squeeze %dma_start3A_12 : memref<1x128xi32, #tpu.memory_space<vmem>> -> memref<128xi32, #tpu.memory_space<vmem>>
        %dma_start3A_14 = arith.constant 0 : i32
        %dma_start3A_15 = arith.constant 0 : i32
        %dma_start3A_16 = tpu.memref_slice %arg2[%dma_start3A_14, %dma_start3A_15] : memref<10240x128xf32, #tpu.memory_space<hbm>> -> memref<10240x128xf32, #tpu.memory_space<hbm>>
        tpu.enqueue_indirect_dma source(%dma_start3A_16 : memref<10240x128xf32, #tpu.memory_space<hbm>>) target(%arg9 : memref<128x128xf32, #tpu.memory_space<vmem>>) offsets(%dma_start3A_13 : memref<128xi32, #tpu.memory_space<vmem>>) semaphore(%run_scoped3A : memref<!tpu.dma_semaphore, #tpu.memory_space<semaphore_mem>>)
        %dma_wait3A = arith.constant 0 : i32
        %dma_wait3A_17 = tpu.memref_slice %arg7[%scan3A_11, %dma_wait3A] : memref<79x128xi32, #tpu.memory_space<vmem>> -> memref<1x128xi32, #tpu.memory_space<vmem>>
        %dma_wait3A_18 = tpu.memref_squeeze %dma_wait3A_17 : memref<1x128xi32, #tpu.memory_space<vmem>> -> memref<128xi32, #tpu.memory_space<vmem>>
        %dma_wait3A_19 = arith.constant 0 : i32
        %dma_wait3A_20 = arith.constant 0 : i32
        %dma_wait3A_21 = tpu.memref_slice %arg2[%dma_wait3A_19, %dma_wait3A_20] : memref<10240x128xf32, #tpu.memory_space<hbm>> -> memref<10240x128xf32, #tpu.memory_space<hbm>>
        tpu.wait_indirect_dma semaphore(%run_scoped3A : memref<!tpu.dma_semaphore, #tpu.memory_space<semaphore_mem>>) src(%dma_wait3A_21 : memref<10240x128xf32, #tpu.memory_space<hbm>>) dst(%arg9 : memref<128x128xf32, #tpu.memory_space<vmem>>)
        tpu.yield
      }) : () -> ()
      "tpu.region"() ({
        %run_scoped3A = tpu.sem_alloc : memref<!tpu.dma_semaphore, #tpu.memory_space<semaphore_mem>>
        %dma_start3A = arith.constant 0 : i32
        %dma_start3A_12 = tpu.memref_slice %arg8[%scan3A_11, %dma_start3A] : memref<79x128xi32, #tpu.memory_space<vmem>> -> memref<1x128xi32, #tpu.memory_space<vmem>>
        %dma_start3A_13 = tpu.memref_squeeze %dma_start3A_12 : memref<1x128xi32, #tpu.memory_space<vmem>> -> memref<128xi32, #tpu.memory_space<vmem>>
        %dma_start3A_14 = arith.constant 0 : i32
        %dma_start3A_15 = arith.constant 0 : i32
        %dma_start3A_16 = tpu.memref_slice %arg10[%dma_start3A_14, %dma_start3A_15] : memref<10240x128xf32, #tpu.memory_space<vmem_shared>> -> memref<10240x128xf32, #tpu.memory_space<vmem_shared>>
        tpu.enqueue_indirect_dma source(%arg9 : memref<128x128xf32, #tpu.memory_space<vmem>>) target(%dma_start3A_16 : memref<10240x128xf32, #tpu.memory_space<vmem_shared>>) offsets(%dma_start3A_13 : memref<128xi32, #tpu.memory_space<vmem>>) semaphore(%run_scoped3A : memref<!tpu.dma_semaphore, #tpu.memory_space<semaphore_mem>>) {add = true}
        %dma_wait3A = arith.constant 0 : i32
        %dma_wait3A_17 = tpu.memref_slice %arg8[%scan3A_11, %dma_wait3A] : memref<79x128xi32, #tpu.memory_space<vmem>> -> memref<1x128xi32, #tpu.memory_space<vmem>>
        %dma_wait3A_18 = tpu.memref_squeeze %dma_wait3A_17 : memref<1x128xi32, #tpu.memory_space<vmem>> -> memref<128xi32, #tpu.memory_space<vmem>>
        %dma_wait3A_19 = arith.constant 0 : i32
        %dma_wait3A_20 = arith.constant 0 : i32
        %dma_wait3A_21 = tpu.memref_slice %arg10[%dma_wait3A_19, %dma_wait3A_20] : memref<10240x128xf32, #tpu.memory_space<vmem_shared>> -> memref<10240x128xf32, #tpu.memory_space<vmem_shared>>
        tpu.wait_indirect_dma semaphore(%run_scoped3A : memref<!tpu.dma_semaphore, #tpu.memory_space<semaphore_mem>>) src(%arg9 : memref<128x128xf32, #tpu.memory_space<vmem>>) dst(%dma_wait3A_21 : memref<10240x128xf32, #tpu.memory_space<vmem_shared>>)
        tpu.yield
      }) : () -> ()
    }
    %scan3A_5 = arith.constant 79 : i32
    %barrier3A_6 = arith.constant 0 : index
    tpu.barrier barrier_id(%barrier3A_6)
    %mul3A_7 = arith.constant 640 : i32
    %mul3A_8 = arith.muli %arg1, %mul3A_7 : i32
    %mul3A_9 = arith.constant 640 : i32
    %mul3A_10 = arith.muli %arg1, %mul3A_9 : i32
    "tpu.region"() ({
      %run_scoped3A = tpu.sem_alloc : memref<!tpu.dma_semaphore, #tpu.memory_space<semaphore_mem>>
      %dma_start3A = arith.constant 0 : i32
      %dma_start3A_11 = tpu.memref_slice %arg6[%arg0, %mul3A_10, %dma_start3A] : memref<2x10240x128xf32, #tpu.memory_space<hbm>> -> memref<1x640x128xf32, #tpu.memory_space<hbm>>
      %dma_start3A_12 = tpu.memref_squeeze %dma_start3A_11 : memref<1x640x128xf32, #tpu.memory_space<hbm>> -> memref<640x128xf32, #tpu.memory_space<hbm>>
      %dma_start3A_13 = arith.constant 0 : i32
      %dma_start3A_14 = tpu.memref_slice %arg10[%mul3A_8, %dma_start3A_13] : memref<10240x128xf32, #tpu.memory_space<vmem_shared>> -> memref<640x128xf32, #tpu.memory_space<vmem_shared>>
      tpu.enqueue_dma source(%dma_start3A_14 : memref<640x128xf32, #tpu.memory_space<vmem_shared>>) target(%dma_start3A_12 : memref<640x128xf32, #tpu.memory_space<hbm>>) target_semaphore(%run_scoped3A : memref<!tpu.dma_semaphore, #tpu.memory_space<semaphore_mem>>)
      %dma_wait3A = arith.constant 0 : i32
      %dma_wait3A_15 = tpu.memref_slice %arg6[%arg0, %mul3A_10, %dma_wait3A] : memref<2x10240x128xf32, #tpu.memory_space<hbm>> -> memref<1x640x128xf32, #tpu.memory_space<hbm>>
      %dma_wait3A_16 = tpu.memref_squeeze %dma_wait3A_15 : memref<1x640x128xf32, #tpu.memory_space<hbm>> -> memref<640x128xf32, #tpu.memory_space<hbm>>
      %dma_wait3A_17 = arith.constant 0 : i32
      %dma_wait3A_18 = tpu.memref_slice %arg10[%mul3A_8, %dma_wait3A_17] : memref<10240x128xf32, #tpu.memory_space<vmem_shared>> -> memref<640x128xf32, #tpu.memory_space<vmem_shared>>
      tpu.wait_dma2 semaphore(%run_scoped3A : memref<!tpu.dma_semaphore, #tpu.memory_space<semaphore_mem>>) src(%dma_wait3A_18 : memref<640x128xf32, #tpu.memory_space<vmem_shared>>) dst(%dma_wait3A_16 : memref<640x128xf32, #tpu.memory_space<hbm>>)
      tpu.yield
    }) : () -> ()
    return
  }
}

#map = affine_map<(d0, d1) -> (0, 0)>
#map1 = affine_map<(d0, d1) -> (0, 0, 0, 0)>
#map2 = affine_map<(d0, d1) -> (0, 0, 0)>
module attributes {stable_mosaic.version = 14 : i64} {
  func.func @_sc_agg_body(%arg0: i32, %arg1: i32, %arg2: memref<10240x128xf32, #tpu.memory_space<hbm>>, %arg3: memref<2x16x79x128xi32, #tpu.memory_space<hbm>>, %arg4: memref<2x16x79x128xi32, #tpu.memory_space<hbm>>, %arg5: memref<640x128xf32, #tpu.memory_space<hbm>>, %arg6: memref<2x10240x128xf32, #tpu.memory_space<hbm>>, %arg7: memref<79x128xi32, #tpu.memory_space<vmem>>, %arg8: memref<79x128xi32, #tpu.memory_space<vmem>>, %arg9: memref<128x128xf32, #tpu.memory_space<vmem>>, %arg10: memref<10240x128xf32, #tpu.memory_space<vmem_shared>>) attributes {dimension_semantics = [#tpu.dimension_semantics<core_parallel>, #tpu.dimension_semantics<subcore_parallel>], iteration_bounds = array<i64: 2, 16>, scalar_prefetch = 0 : i64, scratch_operands = 4 : i64, tpu.core_type = #tpu.core_type<sc_vector_subcore>, window_params = [{transform_indices = #map}, {transform_indices = #map1}, {transform_indices = #map1}, {transform_indices = #map}, {transform_indices = #map2}]} {
    %mul3A = arith.constant 640 : i32
    %mul3A_0 = arith.muli %arg1, %mul3A : i32
    "tpu.region"() ({
      %run_scoped3A = tpu.sem_alloc : memref<!tpu.dma_semaphore, #tpu.memory_space<semaphore_mem>>
      %dma_start3A = arith.constant 0 : i32
      %dma_start3A_11 = tpu.memref_slice %arg10[%mul3A_0, %dma_start3A] : memref<10240x128xf32, #tpu.memory_space<vmem_shared>> -> memref<640x128xf32, #tpu.memory_space<vmem_shared>>
      tpu.enqueue_dma source(%arg5 : memref<640x128xf32, #tpu.memory_space<hbm>>) target(%dma_start3A_11 : memref<640x128xf32, #tpu.memory_space<vmem_shared>>) target_semaphore(%run_scoped3A : memref<!tpu.dma_semaphore, #tpu.memory_space<semaphore_mem>>)
      %dma_wait3A = arith.constant 0 : i32
      %dma_wait3A_12 = tpu.memref_slice %arg10[%mul3A_0, %dma_wait3A] : memref<10240x128xf32, #tpu.memory_space<vmem_shared>> -> memref<640x128xf32, #tpu.memory_space<vmem_shared>>
      tpu.wait_dma2 semaphore(%run_scoped3A : memref<!tpu.dma_semaphore, #tpu.memory_space<semaphore_mem>>) src(%arg5 : memref<640x128xf32, #tpu.memory_space<hbm>>) dst(%dma_wait3A_12 : memref<640x128xf32, #tpu.memory_space<vmem_shared>>)
      tpu.yield
    }) : () -> ()
    "tpu.region"() ({
      %run_scoped3A = tpu.sem_alloc : memref<!tpu.dma_semaphore, #tpu.memory_space<semaphore_mem>>
      %dma_start3A = arith.constant 0 : i32
      %dma_start3A_11 = arith.constant 0 : i32
      %dma_start3A_12 = tpu.memref_slice %arg3[%arg0, %arg1, %dma_start3A, %dma_start3A_11] : memref<2x16x79x128xi32, #tpu.memory_space<hbm>> -> memref<1x1x79x128xi32, #tpu.memory_space<hbm>>
      %dma_start3A_13 = tpu.memref_squeeze %dma_start3A_12 : memref<1x1x79x128xi32, #tpu.memory_space<hbm>> -> memref<79x128xi32, #tpu.memory_space<hbm>>
      %dma_start3A_14 = arith.constant 0 : i32
      %dma_start3A_15 = arith.constant 0 : i32
      %dma_start3A_16 = tpu.memref_slice %arg3[%arg0, %arg1, %dma_start3A_14, %dma_start3A_15] : memref<2x16x79x128xi32, #tpu.memory_space<hbm>> -> memref<1x1x79x128xi32, #tpu.memory_space<hbm>>
      %dma_start3A_17 = tpu.memref_squeeze %dma_start3A_16 : memref<1x1x79x128xi32, #tpu.memory_space<hbm>> -> memref<79x128xi32, #tpu.memory_space<hbm>>
      tpu.enqueue_dma source(%dma_start3A_17 : memref<79x128xi32, #tpu.memory_space<hbm>>) target(%arg7 : memref<79x128xi32, #tpu.memory_space<vmem>>) target_semaphore(%run_scoped3A : memref<!tpu.dma_semaphore, #tpu.memory_space<semaphore_mem>>)
      %dma_wait3A = arith.constant 0 : i32
      %dma_wait3A_18 = arith.constant 0 : i32
      %dma_wait3A_19 = tpu.memref_slice %arg3[%arg0, %arg1, %dma_wait3A, %dma_wait3A_18] : memref<2x16x79x128xi32, #tpu.memory_space<hbm>> -> memref<1x1x79x128xi32, #tpu.memory_space<hbm>>
      %dma_wait3A_20 = tpu.memref_squeeze %dma_wait3A_19 : memref<1x1x79x128xi32, #tpu.memory_space<hbm>> -> memref<79x128xi32, #tpu.memory_space<hbm>>
      %dma_wait3A_21 = arith.constant 0 : i32
      %dma_wait3A_22 = arith.constant 0 : i32
      %dma_wait3A_23 = tpu.memref_slice %arg3[%arg0, %arg1, %dma_wait3A_21, %dma_wait3A_22] : memref<2x16x79x128xi32, #tpu.memory_space<hbm>> -> memref<1x1x79x128xi32, #tpu.memory_space<hbm>>
      %dma_wait3A_24 = tpu.memref_squeeze %dma_wait3A_23 : memref<1x1x79x128xi32, #tpu.memory_space<hbm>> -> memref<79x128xi32, #tpu.memory_space<hbm>>
      tpu.wait_dma2 semaphore(%run_scoped3A : memref<!tpu.dma_semaphore, #tpu.memory_space<semaphore_mem>>) src(%dma_wait3A_24 : memref<79x128xi32, #tpu.memory_space<hbm>>) dst(%arg7 : memref<79x128xi32, #tpu.memory_space<vmem>>)
      tpu.yield
    }) : () -> ()
    "tpu.region"() ({
      %run_scoped3A = tpu.sem_alloc : memref<!tpu.dma_semaphore, #tpu.memory_space<semaphore_mem>>
      %dma_start3A = arith.constant 0 : i32
      %dma_start3A_11 = arith.constant 0 : i32
      %dma_start3A_12 = tpu.memref_slice %arg4[%arg0, %arg1, %dma_start3A, %dma_start3A_11] : memref<2x16x79x128xi32, #tpu.memory_space<hbm>> -> memref<1x1x79x128xi32, #tpu.memory_space<hbm>>
      %dma_start3A_13 = tpu.memref_squeeze %dma_start3A_12 : memref<1x1x79x128xi32, #tpu.memory_space<hbm>> -> memref<79x128xi32, #tpu.memory_space<hbm>>
      %dma_start3A_14 = arith.constant 0 : i32
      %dma_start3A_15 = arith.constant 0 : i32
      %dma_start3A_16 = tpu.memref_slice %arg4[%arg0, %arg1, %dma_start3A_14, %dma_start3A_15] : memref<2x16x79x128xi32, #tpu.memory_space<hbm>> -> memref<1x1x79x128xi32, #tpu.memory_space<hbm>>
      %dma_start3A_17 = tpu.memref_squeeze %dma_start3A_16 : memref<1x1x79x128xi32, #tpu.memory_space<hbm>> -> memref<79x128xi32, #tpu.memory_space<hbm>>
      tpu.enqueue_dma source(%dma_start3A_17 : memref<79x128xi32, #tpu.memory_space<hbm>>) target(%arg8 : memref<79x128xi32, #tpu.memory_space<vmem>>) target_semaphore(%run_scoped3A : memref<!tpu.dma_semaphore, #tpu.memory_space<semaphore_mem>>)
      %dma_wait3A = arith.constant 0 : i32
      %dma_wait3A_18 = arith.constant 0 : i32
      %dma_wait3A_19 = tpu.memref_slice %arg4[%arg0, %arg1, %dma_wait3A, %dma_wait3A_18] : memref<2x16x79x128xi32, #tpu.memory_space<hbm>> -> memref<1x1x79x128xi32, #tpu.memory_space<hbm>>
      %dma_wait3A_20 = tpu.memref_squeeze %dma_wait3A_19 : memref<1x1x79x128xi32, #tpu.memory_space<hbm>> -> memref<79x128xi32, #tpu.memory_space<hbm>>
      %dma_wait3A_21 = arith.constant 0 : i32
      %dma_wait3A_22 = arith.constant 0 : i32
      %dma_wait3A_23 = tpu.memref_slice %arg4[%arg0, %arg1, %dma_wait3A_21, %dma_wait3A_22] : memref<2x16x79x128xi32, #tpu.memory_space<hbm>> -> memref<1x1x79x128xi32, #tpu.memory_space<hbm>>
      %dma_wait3A_24 = tpu.memref_squeeze %dma_wait3A_23 : memref<1x1x79x128xi32, #tpu.memory_space<hbm>> -> memref<79x128xi32, #tpu.memory_space<hbm>>
      tpu.wait_dma2 semaphore(%run_scoped3A : memref<!tpu.dma_semaphore, #tpu.memory_space<semaphore_mem>>) src(%dma_wait3A_24 : memref<79x128xi32, #tpu.memory_space<hbm>>) dst(%arg8 : memref<79x128xi32, #tpu.memory_space<vmem>>)
      tpu.yield
    }) : () -> ()
    %barrier3A = arith.constant 0 : index
    tpu.barrier barrier_id(%barrier3A)
    %scan3A = arith.constant 0 : i32
    %scan3A_1 = arith.constant 0 : i32
    %scan3A_2 = arith.constant 79 : i32
    %scan3A_3 = arith.addi %scan3A_1, %scan3A_2 : i32
    %scan3A_4 = arith.constant 1 : i32
    scf.for %scan3A_11 = %scan3A_1 to %scan3A_3 step %scan3A_4  : i32 {
      "tpu.region"() ({
        %run_scoped3A = tpu.sem_alloc : memref<!tpu.dma_semaphore, #tpu.memory_space<semaphore_mem>>
        %dma_start3A = arith.constant 0 : i32
        %dma_start3A_12 = tpu.memref_slice %arg7[%scan3A_11, %dma_start3A] : memref<79x128xi32, #tpu.memory_space<vmem>> -> memref<1x128xi32, #tpu.memory_space<vmem>>
        %dma_start3A_13 = tpu.memref_squeeze %dma_start3A_12 : memref<1x128xi32, #tpu.memory_space<vmem>> -> memref<128xi32, #tpu.memory_space<vmem>>
        %dma_start3A_14 = arith.constant 0 : i32
        %dma_start3A_15 = arith.constant 0 : i32
        %dma_start3A_16 = tpu.memref_slice %arg2[%dma_start3A_14, %dma_start3A_15] : memref<10240x128xf32, #tpu.memory_space<hbm>> -> memref<10240x128xf32, #tpu.memory_space<hbm>>
        tpu.enqueue_indirect_dma source(%dma_start3A_16 : memref<10240x128xf32, #tpu.memory_space<hbm>>) target(%arg9 : memref<128x128xf32, #tpu.memory_space<vmem>>) offsets(%dma_start3A_13 : memref<128xi32, #tpu.memory_space<vmem>>) semaphore(%run_scoped3A : memref<!tpu.dma_semaphore, #tpu.memory_space<semaphore_mem>>)
        %dma_wait3A = arith.constant 0 : i32
        %dma_wait3A_17 = tpu.memref_slice %arg7[%scan3A_11, %dma_wait3A] : memref<79x128xi32, #tpu.memory_space<vmem>> -> memref<1x128xi32, #tpu.memory_space<vmem>>
        %dma_wait3A_18 = tpu.memref_squeeze %dma_wait3A_17 : memref<1x128xi32, #tpu.memory_space<vmem>> -> memref<128xi32, #tpu.memory_space<vmem>>
        %dma_wait3A_19 = arith.constant 0 : i32
        %dma_wait3A_20 = arith.constant 0 : i32
        %dma_wait3A_21 = tpu.memref_slice %arg2[%dma_wait3A_19, %dma_wait3A_20] : memref<10240x128xf32, #tpu.memory_space<hbm>> -> memref<10240x128xf32, #tpu.memory_space<hbm>>
        tpu.wait_indirect_dma semaphore(%run_scoped3A : memref<!tpu.dma_semaphore, #tpu.memory_space<semaphore_mem>>) src(%dma_wait3A_21 : memref<10240x128xf32, #tpu.memory_space<hbm>>) dst(%arg9 : memref<128x128xf32, #tpu.memory_space<vmem>>)
        tpu.yield
      }) : () -> ()
      "tpu.region"() ({
        %run_scoped3A = tpu.sem_alloc : memref<!tpu.dma_semaphore, #tpu.memory_space<semaphore_mem>>
        %dma_start3A = arith.constant 0 : i32
        %dma_start3A_12 = tpu.memref_slice %arg8[%scan3A_11, %dma_start3A] : memref<79x128xi32, #tpu.memory_space<vmem>> -> memref<1x128xi32, #tpu.memory_space<vmem>>
        %dma_start3A_13 = tpu.memref_squeeze %dma_start3A_12 : memref<1x128xi32, #tpu.memory_space<vmem>> -> memref<128xi32, #tpu.memory_space<vmem>>
        %dma_start3A_14 = arith.constant 0 : i32
        %dma_start3A_15 = arith.constant 0 : i32
        %dma_start3A_16 = tpu.memref_slice %arg10[%dma_start3A_14, %dma_start3A_15] : memref<10240x128xf32, #tpu.memory_space<vmem_shared>> -> memref<10240x128xf32, #tpu.memory_space<vmem_shared>>
        tpu.enqueue_indirect_dma source(%arg9 : memref<128x128xf32, #tpu.memory_space<vmem>>) target(%dma_start3A_16 : memref<10240x128xf32, #tpu.memory_space<vmem_shared>>) offsets(%dma_start3A_13 : memref<128xi32, #tpu.memory_space<vmem>>) semaphore(%run_scoped3A : memref<!tpu.dma_semaphore, #tpu.memory_space<semaphore_mem>>) {add = true}
        %dma_wait3A = arith.constant 0 : i32
        %dma_wait3A_17 = tpu.memref_slice %arg8[%scan3A_11, %dma_wait3A] : memref<79x128xi32, #tpu.memory_space<vmem>> -> memref<1x128xi32, #tpu.memory_space<vmem>>
        %dma_wait3A_18 = tpu.memref_squeeze %dma_wait3A_17 : memref<1x128xi32, #tpu.memory_space<vmem>> -> memref<128xi32, #tpu.memory_space<vmem>>
        %dma_wait3A_19 = arith.constant 0 : i32
        %dma_wait3A_20 = arith.constant 0 : i32
        %dma_wait3A_21 = tpu.memref_slice %arg10[%dma_wait3A_19, %dma_wait3A_20] : memref<10240x128xf32, #tpu.memory_space<vmem_shared>> -> memref<10240x128xf32, #tpu.memory_space<vmem_shared>>
        tpu.wait_indirect_dma semaphore(%run_scoped3A : memref<!tpu.dma_semaphore, #tpu.memory_space<semaphore_mem>>) src(%arg9 : memref<128x128xf32, #tpu.memory_space<vmem>>) dst(%dma_wait3A_21 : memref<10240x128xf32, #tpu.memory_space<vmem_shared>>)
        tpu.yield
      }) : () -> ()
    }
    %scan3A_5 = arith.constant 79 : i32
    %barrier3A_6 = arith.constant 0 : index
    tpu.barrier barrier_id(%barrier3A_6)
    %mul3A_7 = arith.constant 640 : i32
    %mul3A_8 = arith.muli %arg1, %mul3A_7 : i32
    %mul3A_9 = arith.constant 640 : i32
    %mul3A_10 = arith.muli %arg1, %mul3A_9 : i32
    "tpu.region"() ({
      %run_scoped3A = tpu.sem_alloc : memref<!tpu.dma_semaphore, #tpu.memory_space<semaphore_mem>>
      %dma_start3A = arith.constant 0 : i32
      %dma_start3A_11 = tpu.memref_slice %arg6[%arg0, %mul3A_10, %dma_start3A] : memref<2x10240x128xf32, #tpu.memory_space<hbm>> -> memref<1x640x128xf32, #tpu.memory_space<hbm>>
      %dma_start3A_12 = tpu.memref_squeeze %dma_start3A_11 : memref<1x640x128xf32, #tpu.memory_space<hbm>> -> memref<640x128xf32, #tpu.memory_space<hbm>>
      %dma_start3A_13 = arith.constant 0 : i32
      %dma_start3A_14 = tpu.memref_slice %arg10[%mul3A_8, %dma_start3A_13] : memref<10240x128xf32, #tpu.memory_space<vmem_shared>> -> memref<640x128xf32, #tpu.memory_space<vmem_shared>>
      tpu.enqueue_dma source(%dma_start3A_14 : memref<640x128xf32, #tpu.memory_space<vmem_shared>>) target(%dma_start3A_12 : memref<640x128xf32, #tpu.memory_space<hbm>>) target_semaphore(%run_scoped3A : memref<!tpu.dma_semaphore, #tpu.memory_space<semaphore_mem>>)
      %dma_wait3A = arith.constant 0 : i32
      %dma_wait3A_15 = tpu.memref_slice %arg6[%arg0, %mul3A_10, %dma_wait3A] : memref<2x10240x128xf32, #tpu.memory_space<hbm>> -> memref<1x640x128xf32, #tpu.memory_space<hbm>>
      %dma_wait3A_16 = tpu.memref_squeeze %dma_wait3A_15 : memref<1x640x128xf32, #tpu.memory_space<hbm>> -> memref<640x128xf32, #tpu.memory_space<hbm>>
      %dma_wait3A_17 = arith.constant 0 : i32
      %dma_wait3A_18 = tpu.memref_slice %arg10[%mul3A_8, %dma_wait3A_17] : memref<10240x128xf32, #tpu.memory_space<vmem_shared>> -> memref<640x128xf32, #tpu.memory_space<vmem_shared>>
      tpu.wait_dma2 semaphore(%run_scoped3A : memref<!tpu.dma_semaphore, #tpu.memory_space<semaphore_mem>>) src(%dma_wait3A_18 : memref<640x128xf32, #tpu.memory_space<vmem_shared>>) dst(%dma_wait3A_16 : memref<640x128xf32, #tpu.memory_space<hbm>>)
      tpu.yield
    }) : () -> ()
    return
  }
}

module attributes {stable_mosaic.version = 14 : i64} {
  func.func @_tc_pre_body(%arg0: memref<10000x128xf32, #tpu.memory_space<vmem>>, %arg1: memref<128x128xf32, #tpu.memory_space<vmem>>, %arg2: memref<128x128xf32, #tpu.memory_space<vmem>>, %arg3: memref<32x10240xf32, #tpu.memory_space<vmem>>, %arg4: memref<10000xf32, #tpu.memory_space<vmem>>, %arg5: memref<10000x128xf32, #tpu.memory_space<vmem>>, %arg6: memref<10240x128xf32, #tpu.memory_space<vmem>>) attributes {dimension_semantics = [], scalar_prefetch = 0 : i64, scratch_operands = 0 : i64, tpu.core_type = #tpu.core_type<tc>} {
    %get3A = arith.constant 0 : index
    %get3A_0 = arith.constant 0 : index
    %get3A_1 = vector.load %arg3[%get3A, %get3A_0] : memref<32x10240xf32, #tpu.memory_space<vmem>>, vector<32x10240xf32>
    %reduce_sum3A = arith.constant dense<0.000000e+00> : vector<10240xf32>
    %reduce_sum3A_2 = vector.multi_reduction <add>, %get3A_1, %reduce_sum3A [0] : vector<32x10240xf32> to vector<10240xf32>
    %slice3A = vector.extract_strided_slice %reduce_sum3A_2 {offsets = [0], sizes = [10000], strides = [1]} : vector<10240xf32> to vector<10000xf32>
    %add3A = arith.constant 1.000000e+00 : f32
    %add3A_3 = vector.broadcast %add3A : f32 to vector<10000xf32>
    %add3A_4 = arith.addf %slice3A, %add3A_3 : vector<10000xf32>
    %rsqrt3A = math.rsqrt %add3A_4 : vector<10000xf32>
    %swap3A = arith.constant 0 : index
    %swap3A_5 = vector.load %arg4[%swap3A] : memref<10000xf32, #tpu.memory_space<vmem>>, vector<10000xf32>
    tpu.vector_store %arg4[%swap3A], %rsqrt3A {strides = array<i32>} : memref<10000xf32, #tpu.memory_space<vmem>>, vector<10000xf32>,
    %get3A_6 = arith.constant 0 : index
    %get3A_7 = arith.constant 0 : index
    %get3A_8 = vector.load %arg0[%get3A_6, %get3A_7] : memref<10000x128xf32, #tpu.memory_space<vmem>>, vector<10000x128xf32>
    %get3A_9 = arith.constant 0 : index
    %get3A_10 = arith.constant 0 : index
    %get3A_11 = vector.load %arg2[%get3A_9, %get3A_10] : memref<128x128xf32, #tpu.memory_space<vmem>>, vector<128x128xf32>
    %convert_element_type3A = arith.truncf %get3A_8 : vector<10000x128xf32> to vector<10000x128xbf16>
    %convert_element_type3A_12 = arith.truncf %get3A_11 : vector<128x128xf32> to vector<128x128xbf16>
    %dot_general3A = arith.constant dense<0.000000e+00> : vector<10000x128xf32>
    %dot_general3A_13 = tpu.matmul %convert_element_type3A, %convert_element_type3A_12, %dot_general3A {dimension_numbers = #tpu.dot_dimension_numbers<[1], [0], [0], [1], [0, 0, 1, 1], [], []>, transpose_lhs_hint = false} : vector<10000x128xbf16>, vector<128x128xbf16>, vector<10000x128xf32> -> vector<10000x128xf32>
    %swap3A_14 = arith.constant 0 : index
    %swap3A_15 = arith.constant 0 : index
    %swap3A_16 = vector.load %arg5[%swap3A_14, %swap3A_15] : memref<10000x128xf32, #tpu.memory_space<vmem>>, vector<10000x128xf32>
    tpu.vector_store %arg5[%swap3A_14, %swap3A_15], %dot_general3A_13 {strides = array<i32>} : memref<10000x128xf32, #tpu.memory_space<vmem>>, vector<10000x128xf32>,
    %get3A_17 = arith.constant 0 : index
    %get3A_18 = arith.constant 0 : index
    %get3A_19 = vector.load %arg1[%get3A_17, %get3A_18] : memref<128x128xf32, #tpu.memory_space<vmem>>, vector<128x128xf32>
    %convert_element_type3A_20 = arith.truncf %get3A_8 : vector<10000x128xf32> to vector<10000x128xbf16>
    %convert_element_type3A_21 = arith.truncf %get3A_19 : vector<128x128xf32> to vector<128x128xbf16>
    %dot_general3A_22 = arith.constant dense<0.000000e+00> : vector<10000x128xf32>
    %dot_general3A_23 = tpu.matmul %convert_element_type3A_20, %convert_element_type3A_21, %dot_general3A_22 {dimension_numbers = #tpu.dot_dimension_numbers<[1], [0], [0], [1], [0, 0, 1, 1], [], []>, transpose_lhs_hint = false} : vector<10000x128xbf16>, vector<128x128xbf16>, vector<10000x128xf32> -> vector<10000x128xf32>
    %broadcast_in_dim3A = vector.shape_cast %rsqrt3A : vector<10000xf32> to vector<10000x1xf32>
    %mul3A = vector.broadcast %broadcast_in_dim3A : vector<10000x1xf32> to vector<10000x128xf32>
    %mul3A_24 = arith.mulf %dot_general3A_23, %mul3A : vector<10000x128xf32>
    %swap3A_25 = arith.constant 0 : index
    %swap3A_26 = arith.constant 0 : index
    %swap3A_27 = vector.load %arg6[%swap3A_25, %swap3A_26] : memref<10240x128xf32, #tpu.memory_space<vmem>>, vector<10000x128xf32>
    tpu.vector_store %arg6[%swap3A_25, %swap3A_26], %mul3A_24 {strides = array<i32>} : memref<10240x128xf32, #tpu.memory_space<vmem>>, vector<10000x128xf32>,
    return
  }
}

module attributes {stable_mosaic.version = 14 : i64} {
  func.func @_tc_mid_body(%arg0: memref<2x10240x128xf32, #tpu.memory_space<vmem>>, %arg1: memref<10240x128xf32, #tpu.memory_space<vmem>>, %arg2: memref<10000x128xf32, #tpu.memory_space<vmem>>, %arg3: memref<10000xf32, #tpu.memory_space<vmem>>, %arg4: memref<128xf32, #tpu.memory_space<vmem>>, %arg5: memref<128xf32, #tpu.memory_space<vmem>>, %arg6: memref<128xf32, #tpu.memory_space<vmem>>, %arg7: memref<128x128xf32, #tpu.memory_space<vmem>>, %arg8: memref<10000x128xf32, #tpu.memory_space<vmem>>, %arg9: memref<10240x128xf32, #tpu.memory_space<vmem>>) attributes {dimension_semantics = [], scalar_prefetch = 0 : i64, scratch_operands = 0 : i64, tpu.core_type = #tpu.core_type<tc>} {
    %get3A = arith.constant 0 : index
    %get3A_0 = vector.load %arg3[%get3A] : memref<10000xf32, #tpu.memory_space<vmem>>, vector<10000xf32>
    %get3A_1 = arith.constant 0 : index
    %get3A_2 = arith.constant 0 : index
    %get3A_3 = arith.constant 0 : index
    %get3A_4 = vector.load %arg0[%get3A_1, %get3A_2, %get3A_3] : memref<2x10240x128xf32, #tpu.memory_space<vmem>>, vector<1x10000x128xf32>
    %get3A_5 = vector.shape_cast %get3A_4 : vector<1x10000x128xf32> to vector<10000x128xf32>
    %get3A_6 = arith.constant 1 : index
    %get3A_7 = arith.constant 0 : index
    %get3A_8 = arith.constant 0 : index
    %get3A_9 = vector.load %arg0[%get3A_6, %get3A_7, %get3A_8] : memref<2x10240x128xf32, #tpu.memory_space<vmem>>, vector<1x10000x128xf32>
    %get3A_10 = vector.shape_cast %get3A_9 : vector<1x10000x128xf32> to vector<10000x128xf32>
    %add3A = arith.addf %get3A_5, %get3A_10 : vector<10000x128xf32>
    %get3A_11 = arith.constant 0 : index
    %get3A_12 = arith.constant 0 : index
    %get3A_13 = vector.load %arg1[%get3A_11, %get3A_12] : memref<10240x128xf32, #tpu.memory_space<vmem>>, vector<10000x128xf32>
    %add3A_14 = arith.addf %add3A, %get3A_13 : vector<10000x128xf32>
    %broadcast_in_dim3A = vector.shape_cast %get3A_0 : vector<10000xf32> to vector<10000x1xf32>
    %mul3A = vector.broadcast %broadcast_in_dim3A : vector<10000x1xf32> to vector<10000x128xf32>
    %mul3A_15 = arith.mulf %add3A_14, %mul3A : vector<10000x128xf32>
    %get3A_16 = arith.constant 0 : index
    %get3A_17 = vector.load %arg4[%get3A_16] : memref<128xf32, #tpu.memory_space<vmem>>, vector<128xf32>
    %broadcast_in_dim3A_18 = vector.shape_cast %get3A_17 : vector<128xf32> to vector<1x128xf32>
    %add3A_19 = vector.broadcast %broadcast_in_dim3A_18 : vector<1x128xf32> to vector<10000x128xf32>
    %add3A_20 = arith.addf %mul3A_15, %add3A_19 : vector<10000x128xf32>
    %get3A_21 = arith.constant 0 : index
    %get3A_22 = vector.load %arg5[%get3A_21] : memref<128xf32, #tpu.memory_space<vmem>>, vector<128xf32>
    %get3A_23 = arith.constant 0 : index
    %get3A_24 = vector.load %arg6[%get3A_23] : memref<128xf32, #tpu.memory_space<vmem>>, vector<128xf32>
    %reduce_sum3A = arith.constant dense<0.000000e+00> : vector<128xf32>
    %reduce_sum3A_25 = vector.multi_reduction <add>, %add3A_20, %reduce_sum3A [0] : vector<10000x128xf32> to vector<128xf32>
    %div3A = arith.constant 1.000000e+04 : f32
    %div3A_26 = vector.broadcast %div3A : f32 to vector<128xf32>
    %div3A_27 = arith.divf %reduce_sum3A_25, %div3A_26 : vector<128xf32>
    %broadcast_in_dim3A_28 = vector.shape_cast %div3A_27 : vector<128xf32> to vector<1x128xf32>
    %sub3A = vector.broadcast %broadcast_in_dim3A_28 : vector<1x128xf32> to vector<10000x128xf32>
    %sub3A_29 = arith.subf %add3A_20, %sub3A : vector<10000x128xf32>
    %integer_pow3A = arith.mulf %sub3A_29, %sub3A_29 : vector<10000x128xf32>
    %reduce_sum3A_30 = arith.constant dense<0.000000e+00> : vector<128xf32>
    %reduce_sum3A_31 = vector.multi_reduction <add>, %integer_pow3A, %reduce_sum3A_30 [0] : vector<10000x128xf32> to vector<128xf32>
    %div3A_32 = arith.constant 1.000000e+04 : f32
    %div3A_33 = vector.broadcast %div3A_32 : f32 to vector<128xf32>
    %div3A_34 = arith.divf %reduce_sum3A_31, %div3A_33 : vector<128xf32>
    %broadcast_in_dim3A_35 = vector.shape_cast %div3A_27 : vector<128xf32> to vector<1x128xf32>
    %sub3A_36 = vector.broadcast %broadcast_in_dim3A_35 : vector<1x128xf32> to vector<10000x128xf32>
    %sub3A_37 = arith.subf %add3A_20, %sub3A_36 : vector<10000x128xf32>
    %add3A_38 = arith.constant 9.99999974E-6 : f32
    %add3A_39 = vector.broadcast %add3A_38 : f32 to vector<128xf32>
    %add3A_40 = arith.addf %div3A_34, %add3A_39 : vector<128xf32>
    %rsqrt3A = math.rsqrt %add3A_40 : vector<128xf32>
    %broadcast_in_dim3A_41 = vector.shape_cast %rsqrt3A : vector<128xf32> to vector<1x128xf32>
    %mul3A_42 = vector.broadcast %broadcast_in_dim3A_41 : vector<1x128xf32> to vector<10000x128xf32>
    %mul3A_43 = arith.mulf %sub3A_37, %mul3A_42 : vector<10000x128xf32>
    %broadcast_in_dim3A_44 = vector.shape_cast %get3A_22 : vector<128xf32> to vector<1x128xf32>
    %mul3A_45 = vector.broadcast %broadcast_in_dim3A_44 : vector<1x128xf32> to vector<10000x128xf32>
    %mul3A_46 = arith.mulf %mul3A_43, %mul3A_45 : vector<10000x128xf32>
    %broadcast_in_dim3A_47 = vector.shape_cast %get3A_24 : vector<128xf32> to vector<1x128xf32>
    %add3A_48 = vector.broadcast %broadcast_in_dim3A_47 : vector<1x128xf32> to vector<10000x128xf32>
    %add3A_49 = arith.addf %mul3A_46, %add3A_48 : vector<10000x128xf32>
    %max3A = arith.constant 0.000000e+00 : f32
    %max3A_50 = vector.broadcast %max3A : f32 to vector<10000x128xf32>
    %max3A_51 = arith.maximumf %add3A_49, %max3A_50 : vector<10000x128xf32>
    %get3A_52 = arith.constant 0 : index
    %get3A_53 = arith.constant 0 : index
    %get3A_54 = vector.load %arg2[%get3A_52, %get3A_53] : memref<10000x128xf32, #tpu.memory_space<vmem>>, vector<10000x128xf32>
    %add3A_55 = arith.addf %max3A_51, %get3A_54 : vector<10000x128xf32>
    %swap3A = arith.constant 0 : index
    %swap3A_56 = arith.constant 0 : index
    %swap3A_57 = vector.load %arg8[%swap3A, %swap3A_56] : memref<10000x128xf32, #tpu.memory_space<vmem>>, vector<10000x128xf32>
    tpu.vector_store %arg8[%swap3A, %swap3A_56], %add3A_55 {strides = array<i32>} : memref<10000x128xf32, #tpu.memory_space<vmem>>, vector<10000x128xf32>,
    %get3A_58 = arith.constant 0 : index
    %get3A_59 = arith.constant 0 : index
    %get3A_60 = vector.load %arg7[%get3A_58, %get3A_59] : memref<128x128xf32, #tpu.memory_space<vmem>>, vector<128x128xf32>
    %convert_element_type3A = arith.truncf %add3A_55 : vector<10000x128xf32> to vector<10000x128xbf16>
    %convert_element_type3A_61 = arith.truncf %get3A_60 : vector<128x128xf32> to vector<128x128xbf16>
    %dot_general3A = arith.constant dense<0.000000e+00> : vector<10000x128xf32>
    %dot_general3A_62 = tpu.matmul %convert_element_type3A, %convert_element_type3A_61, %dot_general3A {dimension_numbers = #tpu.dot_dimension_numbers<[1], [0], [0], [1], [0, 0, 1, 1], [], []>, transpose_lhs_hint = false} : vector<10000x128xbf16>, vector<128x128xbf16>, vector<10000x128xf32> -> vector<10000x128xf32>
    %broadcast_in_dim3A_63 = vector.shape_cast %get3A_0 : vector<10000xf32> to vector<10000x1xf32>
    %mul3A_64 = vector.broadcast %broadcast_in_dim3A_63 : vector<10000x1xf32> to vector<10000x128xf32>
    %mul3A_65 = arith.mulf %dot_general3A_62, %mul3A_64 : vector<10000x128xf32>
    %swap3A_66 = arith.constant 0 : index
    %swap3A_67 = arith.constant 0 : index
    %swap3A_68 = vector.load %arg9[%swap3A_66, %swap3A_67] : memref<10240x128xf32, #tpu.memory_space<vmem>>, vector<10000x128xf32>
    tpu.vector_store %arg9[%swap3A_66, %swap3A_67], %mul3A_65 {strides = array<i32>} : memref<10240x128xf32, #tpu.memory_space<vmem>>, vector<10000x128xf32>,
    return
  }
}

module attributes {stable_mosaic.version = 14 : i64} {
  func.func @_tc_post_body(%arg0: memref<2x10240x128xf32, #tpu.memory_space<vmem>>, %arg1: memref<10240x128xf32, #tpu.memory_space<vmem>>, %arg2: memref<10000x128xf32, #tpu.memory_space<vmem>>, %arg3: memref<10000xf32, #tpu.memory_space<vmem>>, %arg4: memref<128xf32, #tpu.memory_space<vmem>>, %arg5: memref<128xf32, #tpu.memory_space<vmem>>, %arg6: memref<128xf32, #tpu.memory_space<vmem>>, %arg7: memref<10000xi32, #tpu.memory_space<vmem>>, %arg8: memref<128x64xf32, #tpu.memory_space<vmem>>, %arg9: memref<64xf32, #tpu.memory_space<vmem>>, %arg10: memref<64xf32, #tpu.memory_space<vmem>>, %arg11: memref<64xf32, #tpu.memory_space<vmem>>, %arg12: memref<64x1xf32, #tpu.memory_space<vmem>>, %arg13: memref<1xf32, #tpu.memory_space<vmem>>, %arg14: memref<64x1xf32, #tpu.memory_space<vmem>>) attributes {dimension_semantics = [], scalar_prefetch = 0 : i64, scratch_operands = 0 : i64, tpu.core_type = #tpu.core_type<tc>} {
    %get3A = arith.constant 0 : index
    %get3A_0 = vector.load %arg3[%get3A] : memref<10000xf32, #tpu.memory_space<vmem>>, vector<10000xf32>
    %get3A_1 = arith.constant 0 : index
    %get3A_2 = arith.constant 0 : index
    %get3A_3 = arith.constant 0 : index
    %get3A_4 = vector.load %arg0[%get3A_1, %get3A_2, %get3A_3] : memref<2x10240x128xf32, #tpu.memory_space<vmem>>, vector<1x10000x128xf32>
    %get3A_5 = vector.shape_cast %get3A_4 : vector<1x10000x128xf32> to vector<10000x128xf32>
    %get3A_6 = arith.constant 1 : index
    %get3A_7 = arith.constant 0 : index
    %get3A_8 = arith.constant 0 : index
    %get3A_9 = vector.load %arg0[%get3A_6, %get3A_7, %get3A_8] : memref<2x10240x128xf32, #tpu.memory_space<vmem>>, vector<1x10000x128xf32>
    %get3A_10 = vector.shape_cast %get3A_9 : vector<1x10000x128xf32> to vector<10000x128xf32>
    %add3A = arith.addf %get3A_5, %get3A_10 : vector<10000x128xf32>
    %get3A_11 = arith.constant 0 : index
    %get3A_12 = arith.constant 0 : index
    %get3A_13 = vector.load %arg1[%get3A_11, %get3A_12] : memref<10240x128xf32, #tpu.memory_space<vmem>>, vector<10000x128xf32>
    %add3A_14 = arith.addf %add3A, %get3A_13 : vector<10000x128xf32>
    %broadcast_in_dim3A = vector.shape_cast %get3A_0 : vector<10000xf32> to vector<10000x1xf32>
    %mul3A = vector.broadcast %broadcast_in_dim3A : vector<10000x1xf32> to vector<10000x128xf32>
    %mul3A_15 = arith.mulf %add3A_14, %mul3A : vector<10000x128xf32>
    %get3A_16 = arith.constant 0 : index
    %get3A_17 = vector.load %arg4[%get3A_16] : memref<128xf32, #tpu.memory_space<vmem>>, vector<128xf32>
    %broadcast_in_dim3A_18 = vector.shape_cast %get3A_17 : vector<128xf32> to vector<1x128xf32>
    %add3A_19 = vector.broadcast %broadcast_in_dim3A_18 : vector<1x128xf32> to vector<10000x128xf32>
    %add3A_20 = arith.addf %mul3A_15, %add3A_19 : vector<10000x128xf32>
    %get3A_21 = arith.constant 0 : index
    %get3A_22 = vector.load %arg5[%get3A_21] : memref<128xf32, #tpu.memory_space<vmem>>, vector<128xf32>
    %get3A_23 = arith.constant 0 : index
    %get3A_24 = vector.load %arg6[%get3A_23] : memref<128xf32, #tpu.memory_space<vmem>>, vector<128xf32>
    %reduce_sum3A = arith.constant dense<0.000000e+00> : vector<128xf32>
    %reduce_sum3A_25 = vector.multi_reduction <add>, %add3A_20, %reduce_sum3A [0] : vector<10000x128xf32> to vector<128xf32>
    %div3A = arith.constant 1.000000e+04 : f32
    %div3A_26 = vector.broadcast %div3A : f32 to vector<128xf32>
    %div3A_27 = arith.divf %reduce_sum3A_25, %div3A_26 : vector<128xf32>
    %broadcast_in_dim3A_28 = vector.shape_cast %div3A_27 : vector<128xf32> to vector<1x128xf32>
    %sub3A = vector.broadcast %broadcast_in_dim3A_28 : vector<1x128xf32> to vector<10000x128xf32>
    %sub3A_29 = arith.subf %add3A_20, %sub3A : vector<10000x128xf32>
    %integer_pow3A = arith.mulf %sub3A_29, %sub3A_29 : vector<10000x128xf32>
    %reduce_sum3A_30 = arith.constant dense<0.000000e+00> : vector<128xf32>
    %reduce_sum3A_31 = vector.multi_reduction <add>, %integer_pow3A, %reduce_sum3A_30 [0] : vector<10000x128xf32> to vector<128xf32>
    %div3A_32 = arith.constant 1.000000e+04 : f32
    %div3A_33 = vector.broadcast %div3A_32 : f32 to vector<128xf32>
    %div3A_34 = arith.divf %reduce_sum3A_31, %div3A_33 : vector<128xf32>
    %broadcast_in_dim3A_35 = vector.shape_cast %div3A_27 : vector<128xf32> to vector<1x128xf32>
    %sub3A_36 = vector.broadcast %broadcast_in_dim3A_35 : vector<1x128xf32> to vector<10000x128xf32>
    %sub3A_37 = arith.subf %add3A_20, %sub3A_36 : vector<10000x128xf32>
    %add3A_38 = arith.constant 9.99999974E-6 : f32
    %add3A_39 = vector.broadcast %add3A_38 : f32 to vector<128xf32>
    %add3A_40 = arith.addf %div3A_34, %add3A_39 : vector<128xf32>
    %rsqrt3A = math.rsqrt %add3A_40 : vector<128xf32>
    %broadcast_in_dim3A_41 = vector.shape_cast %rsqrt3A : vector<128xf32> to vector<1x128xf32>
    %mul3A_42 = vector.broadcast %broadcast_in_dim3A_41 : vector<1x128xf32> to vector<10000x128xf32>
    %mul3A_43 = arith.mulf %sub3A_37, %mul3A_42 : vector<10000x128xf32>
    %broadcast_in_dim3A_44 = vector.shape_cast %get3A_22 : vector<128xf32> to vector<1x128xf32>
    %mul3A_45 = vector.broadcast %broadcast_in_dim3A_44 : vector<1x128xf32> to vector<10000x128xf32>
    %mul3A_46 = arith.mulf %mul3A_43, %mul3A_45 : vector<10000x128xf32>
    %broadcast_in_dim3A_47 = vector.shape_cast %get3A_24 : vector<128xf32> to vector<1x128xf32>
    %add3A_48 = vector.broadcast %broadcast_in_dim3A_47 : vector<1x128xf32> to vector<10000x128xf32>
    %add3A_49 = arith.addf %mul3A_46, %add3A_48 : vector<10000x128xf32>
    %max3A = arith.constant 0.000000e+00 : f32
    %max3A_50 = vector.broadcast %max3A : f32 to vector<10000x128xf32>
    %max3A_51 = arith.maximumf %add3A_49, %max3A_50 : vector<10000x128xf32>
    %get3A_52 = arith.constant 0 : index
    %get3A_53 = arith.constant 0 : index
    %get3A_54 = vector.load %arg2[%get3A_52, %get3A_53] : memref<10000x128xf32, #tpu.memory_space<vmem>>, vector<10000x128xf32>
    %add3A_55 = arith.addf %max3A_51, %get3A_54 : vector<10000x128xf32>
    %iota3A = tpu.iota {dimensions = array<i32: 0>} : vector<64x10000xi32>
    %get3A_56 = arith.constant 0 : index
    %get3A_57 = vector.load %arg7[%get3A_56] : memref<10000xi32, #tpu.memory_space<vmem>>, vector<10000xi32>
    %broadcast_in_dim3A_58 = vector.shape_cast %get3A_57 : vector<10000xi32> to vector<1x10000xi32>
    %eq3A = vector.broadcast %broadcast_in_dim3A_58 : vector<1x10000xi32> to vector<64x10000xi32>
    %eq3A_59 = arith.cmpi eq, %eq3A, %iota3A : vector<64x10000xi32>
    %convert_element_type3A = arith.extui %eq3A_59 : vector<64x10000xi1> to vector<64x10000xi32>
    %convert_element_type3A_60 = arith.sitofp %convert_element_type3A : vector<64x10000xi32> to vector<64x10000xf32>
    %dot_general3A = arith.constant dense<0.000000e+00> : vector<64x128xf32>
    %dot_general3A_61 = tpu.matmul %convert_element_type3A_60, %add3A_55, %dot_general3A {dimension_numbers = #tpu.dot_dimension_numbers<[1], [0], [0], [1], [0, 0, 1, 1], [], []>, precision = #tpu.contract_precision<fp32>, transpose_lhs_hint = false} : vector<64x10000xf32>, vector<10000x128xf32>, vector<64x128xf32> -> vector<64x128xf32>
    %reduce_sum3A_62 = arith.constant dense<0.000000e+00> : vector<64xf32>
    %reduce_sum3A_63 = vector.multi_reduction <add>, %convert_element_type3A_60, %reduce_sum3A_62 [1] : vector<64x10000xf32> to vector<64xf32>
    %max3A_64 = arith.constant 1.000000e+00 : f32
    %max3A_65 = vector.broadcast %max3A_64 : f32 to vector<64xf32>
    %max3A_66 = arith.maximumf %reduce_sum3A_63, %max3A_65 : vector<64xf32>
    %broadcast_in_dim3A_67 = vector.shape_cast %max3A_66 : vector<64xf32> to vector<64x1xf32>
    %div3A_68 = vector.broadcast %broadcast_in_dim3A_67 : vector<64x1xf32> to vector<64x128xf32>
    %div3A_69 = arith.divf %dot_general3A_61, %div3A_68 : vector<64x128xf32>
    %get3A_70 = arith.constant 0 : index
    %get3A_71 = arith.constant 0 : index
    %get3A_72 = vector.load %arg8[%get3A_70, %get3A_71] : memref<128x64xf32, #tpu.memory_space<vmem>>, vector<128x64xf32>
    %convert_element_type3A_73 = arith.truncf %div3A_69 : vector<64x128xf32> to vector<64x128xbf16>
    %convert_element_type3A_74 = arith.truncf %get3A_72 : vector<128x64xf32> to vector<128x64xbf16>
    %dot_general3A_75 = arith.constant dense<0.000000e+00> : vector<64x64xf32>
    %dot_general3A_76 = tpu.matmul %convert_element_type3A_73, %convert_element_type3A_74, %dot_general3A_75 {dimension_numbers = #tpu.dot_dimension_numbers<[1], [0], [0], [1], [0, 0, 1, 1], [], []>, transpose_lhs_hint = false} : vector<64x128xbf16>, vector<128x64xbf16>, vector<64x64xf32> -> vector<64x64xf32>
    %get3A_77 = arith.constant 0 : index
    %get3A_78 = vector.load %arg9[%get3A_77] : memref<64xf32, #tpu.memory_space<vmem>>, vector<64xf32>
    %broadcast_in_dim3A_79 = vector.shape_cast %get3A_78 : vector<64xf32> to vector<1x64xf32>
    %add3A_80 = vector.broadcast %broadcast_in_dim3A_79 : vector<1x64xf32> to vector<64x64xf32>
    %add3A_81 = arith.addf %dot_general3A_76, %add3A_80 : vector<64x64xf32>
    %get3A_82 = arith.constant 0 : index
    %get3A_83 = vector.load %arg10[%get3A_82] : memref<64xf32, #tpu.memory_space<vmem>>, vector<64xf32>
    %get3A_84 = arith.constant 0 : index
    %get3A_85 = vector.load %arg11[%get3A_84] : memref<64xf32, #tpu.memory_space<vmem>>, vector<64xf32>
    %reduce_sum3A_86 = arith.constant dense<0.000000e+00> : vector<64xf32>
    %reduce_sum3A_87 = vector.multi_reduction <add>, %add3A_81, %reduce_sum3A_86 [0] : vector<64x64xf32> to vector<64xf32>
    %div3A_88 = arith.constant 6.400000e+01 : f32
    %div3A_89 = vector.broadcast %div3A_88 : f32 to vector<64xf32>
    %div3A_90 = arith.divf %reduce_sum3A_87, %div3A_89 : vector<64xf32>
    %broadcast_in_dim3A_91 = vector.shape_cast %div3A_90 : vector<64xf32> to vector<1x64xf32>
    %sub3A_92 = vector.broadcast %broadcast_in_dim3A_91 : vector<1x64xf32> to vector<64x64xf32>
    %sub3A_93 = arith.subf %add3A_81, %sub3A_92 : vector<64x64xf32>
    %integer_pow3A_94 = arith.mulf %sub3A_93, %sub3A_93 : vector<64x64xf32>
    %reduce_sum3A_95 = arith.constant dense<0.000000e+00> : vector<64xf32>
    %reduce_sum3A_96 = vector.multi_reduction <add>, %integer_pow3A_94, %reduce_sum3A_95 [0] : vector<64x64xf32> to vector<64xf32>
    %div3A_97 = arith.constant 6.400000e+01 : f32
    %div3A_98 = vector.broadcast %div3A_97 : f32 to vector<64xf32>
    %div3A_99 = arith.divf %reduce_sum3A_96, %div3A_98 : vector<64xf32>
    %broadcast_in_dim3A_100 = vector.shape_cast %div3A_90 : vector<64xf32> to vector<1x64xf32>
    %sub3A_101 = vector.broadcast %broadcast_in_dim3A_100 : vector<1x64xf32> to vector<64x64xf32>
    %sub3A_102 = arith.subf %add3A_81, %sub3A_101 : vector<64x64xf32>
    %add3A_103 = arith.constant 9.99999974E-6 : f32
    %add3A_104 = vector.broadcast %add3A_103 : f32 to vector<64xf32>
    %add3A_105 = arith.addf %div3A_99, %add3A_104 : vector<64xf32>
    %rsqrt3A_106 = math.rsqrt %add3A_105 : vector<64xf32>
    %broadcast_in_dim3A_107 = vector.shape_cast %rsqrt3A_106 : vector<64xf32> to vector<1x64xf32>
    %mul3A_108 = vector.broadcast %broadcast_in_dim3A_107 : vector<1x64xf32> to vector<64x64xf32>
    %mul3A_109 = arith.mulf %sub3A_102, %mul3A_108 : vector<64x64xf32>
    %broadcast_in_dim3A_110 = vector.shape_cast %get3A_83 : vector<64xf32> to vector<1x64xf32>
    %mul3A_111 = vector.broadcast %broadcast_in_dim3A_110 : vector<1x64xf32> to vector<64x64xf32>
    %mul3A_112 = arith.mulf %mul3A_109, %mul3A_111 : vector<64x64xf32>
    %broadcast_in_dim3A_113 = vector.shape_cast %get3A_85 : vector<64xf32> to vector<1x64xf32>
    %add3A_114 = vector.broadcast %broadcast_in_dim3A_113 : vector<1x64xf32> to vector<64x64xf32>
    %add3A_115 = arith.addf %mul3A_112, %add3A_114 : vector<64x64xf32>
    %max3A_116 = arith.constant 0.000000e+00 : f32
    %max3A_117 = vector.broadcast %max3A_116 : f32 to vector<64x64xf32>
    %max3A_118 = arith.maximumf %add3A_115, %max3A_117 : vector<64x64xf32>
    %get3A_119 = arith.constant 0 : index
    %get3A_120 = arith.constant 0 : index
    %get3A_121 = vector.load %arg12[%get3A_119, %get3A_120] : memref<64x1xf32, #tpu.memory_space<vmem>>, vector<64x1xf32>
    %convert_element_type3A_122 = arith.truncf %max3A_118 : vector<64x64xf32> to vector<64x64xbf16>
    %convert_element_type3A_123 = arith.truncf %get3A_121 : vector<64x1xf32> to vector<64x1xbf16>
    %dot_general3A_124 = arith.constant dense<0.000000e+00> : vector<64x1xf32>
    %dot_general3A_125 = tpu.matmul %convert_element_type3A_122, %convert_element_type3A_123, %dot_general3A_124 {dimension_numbers = #tpu.dot_dimension_numbers<[1], [0], [0], [1], [0, 0, 1, 1], [], []>, transpose_lhs_hint = false} : vector<64x64xbf16>, vector<64x1xbf16>, vector<64x1xf32> -> vector<64x1xf32>
    %get3A_126 = arith.constant 0 : index
    %get3A_127 = vector.load %arg13[%get3A_126] : memref<1xf32, #tpu.memory_space<vmem>>, vector<1xf32>
    %broadcast_in_dim3A_128 = vector.shape_cast %get3A_127 : vector<1xf32> to vector<1x1xf32>
    %add3A_129 = vector.broadcast %broadcast_in_dim3A_128 : vector<1x1xf32> to vector<64x1xf32>
    %add3A_130 = arith.addf %dot_general3A_125, %add3A_129 : vector<64x1xf32>
    %swap3A = arith.constant 0 : index
    %swap3A_131 = arith.constant 0 : index
    %swap3A_132 = vector.load %arg14[%swap3A, %swap3A_131] : memref<64x1xf32, #tpu.memory_space<vmem>>, vector<64x1xf32>
    tpu.vector_store %arg14[%swap3A, %swap3A_131], %add3A_130 {strides = array<i32>} : memref<64x1xf32, #tpu.memory_space<vmem>>, vector<64x1xf32>,
    return
  }
}

</mosaic_0001>

<sc_bundles>
// kernel: kernel.12.cloned.1.call-start
scs
__scs_entry_jumppad:
0x0: {  	(pc) =	sbr.rel $0x88, $3  }
0x1: {  	(tag) =	ssettag $0x0;
	lr =	simm.s32 $0x1  }
0x2: {  	[smem:$0x3F87] =	sst lr;
	_ =	strace $0xD0000000  }
0x3: {  	_ = 	snop  }
0x4: {  	_ = 	snop  }
0x5: {  	_ = 	snop  }
0x6: {  	_ = 	snop  }
0x7: {  	_ = 	snop  }
__scs_overlays_trampoline_lowered:
0x8: {  	[smem:$0x3F96] =	sst s0  }
0x9: {  	[smem:$0x3F97] =	sst s1  }
0xa: {  	[smem:$0x3F98] =	sst s2  }
0xb: {  	[smem:$0x3F99] =	sst s3  }
0xc: {  	[smem:$0x3F9A] =	sst s4  }
0xd: {  	[smem:$0x3F9B] =	sst s5  }
0xe: {  	[smem:$0x3F9C] =	sst s6  }
0xf: {  	[smem:$0x3F9D] =	sst s7  }
0x10: {  	[smem:$0x3F9E] =	sst s8  }
0x11: {  	[smem:$0x3F9F] =	sst s9;
	s0 =	simm.s32 @!p0 $0x0  }
0x12: {  	s1 =	sld [smem:$0x3F85];
	s0 =	simm.s32 @p0 $0x1  }
0x13: {  	[smem:$0x3FA0] =	sst s0;
	s0 =	simm.s32 @!p1 $0x0  }
0x14: {  	s2 =	sld [smem:$0x3F84];
	s0 =	simm.s32 @p1 $0x1  }
0x15: {  	[smem:$0x3FA1] =	sst s0;
	s0 =	simm.s32 @!p2 $0x0  }
0x16: {  	s3 =	sld [smem:$0x3FDB];
	s0 =	simm.s32 @p2 $0x1  }
0x17: {  	s4 =	simm.s32 $0x1BF5;
	[smem:$0x3FA3] =	sst s0  }
0x18: {  	s0 =	sld [smem:$0x3F86];
	_ =	swait.ge [sflag:s4], $0x0  }
0x19: {  	s7 =	sld [smem:$0x3F87]  }
0x1a: {  	s8 =	sadd.s32 $0xFFFFE003, lr  }
0x1b: {  	s9 =	sadd.s32 $0xFFFFFEF7, lr;
	s5 =	simm.s32 $0xFFFFFFFF;
	p2 =	slt.u32 s8, $0xFFFFF086  }
0x1c: {  	p1 =	slt.u32 s9, $0xF7A;
	s5 =	simm.s32 @!p2 $0x0  }
0x1d: {  	s5 =	simm.s32 @p1 $0x1;
	p0 =	seq.s32 s7, s2  }
0x1e: {  	s7 =	smul.u32 @!p0 $0xF7A, s2;
	p2 =	seq.s32 @!p0 s5, $0x0  }
0x1f: {  	s9 =	smul.u32 $0xF7A, s1;
	s8 =	simm.s32 @!p0 $0x1BF5;
	p2 =	por !p2, p0  }
0x20: {  	[sflag:s8] =	ssyncset.s32 @!p0 $0xFFFFF086;
	s6 =	sadd.s32 @!p0 s3, s7;
	s7 =	simm.s32 @!p0 $0x108  }
0x21: {  	s3 =	sadd.s32 s3, s9;
	s6 =	sadd.s32 @!p0 $0x88, s6;
	s7 =	simm.s32 @p2 $0x1082  }
0x22: {  	[simem:s7], [sflag:s8] =	dma.local @!p0 [hbm:s6], $0xF7A  }
0x23: {  	s9 =	sor.u32 $0xD0000000, s2;
	s6 =	simm.s32 $0x108;
	_ =	swait.ge @!p0 [sflag:s8], $0x0  }
0x24: {  	s3 =	sadd.s32 $0x88, s3;
	s6 =	simm.s32 @!p1 $0x1082;
	[sflag:s4] =	ssyncset.s32 $0xFFFFF086  }
0x25: {  	[simem:s6], [sflag:s4] =	dma.local [hbm:s3], $0xF7A  }
0x26: {  	[smem:$0x3F87] =	sst s1;
	(tag) =	ssettag s2;
	_ =	strace s9  }
0x27: {  	s1 =	sld [smem:$0x3F97]  }
0x28: {  	s2 =	sld [smem:$0x3F98]  }
0x29: {  	s4 =	sld [smem:$0x3F9A]  }
0x2a: {  	p0 =	seq.s32 s5, $0x0;
	s5 =	sld [smem:$0x3F9B]  }
0x2b: {  	s6 =	sld [smem:$0x3F9C]  }
0x2c: {  	s7 =	sld [smem:$0x3F9D]  }
0x2d: {  	s3 =	simm.s32 $0x108;
	s8 =	sld [smem:$0x3F9E]  }
0x2e: {  	s3 =	simm.s32 @!p0 $0x1082;
	s9 =	sld [smem:$0x3F9F]  }
0x2f: {  	lr =	sadd.s32 s0, s3;
	s0 =	sld [smem:$0x3F96]  }
0x30: {  	s3 =	sld [smem:$0x3F99]  }
0x31: {  	[smem:$0x3FA2] =	sst s10  }
0x32: {  	s10 =	sld [smem:$0x3FA0];
	_ =	sdelay $0x3  }
0x33: {  	p0 =	seq.s32 s10, $0x1;
	s10 =	sld [smem:$0x3FA2];
	_ =	sdelay $0x3  }
0x34: {  	[smem:$0x3FA2] =	sst s10  }
0x35: {  	s10 =	sld [smem:$0x3FA1];
	_ =	sdelay $0x3  }
0x36: {  	p1 =	seq.s32 s10, $0x1;
	s10 =	sld [smem:$0x3FA2];
	_ =	sdelay $0x3  }
0x37: {  	[smem:$0x3FA2] =	sst s10  }
0x38: {  	s10 =	sld [smem:$0x3FA3]  }
0x39: {  	_ = 	snop;
	(pc) =	sbr.ind lr, $3  }
0x3a: {  	_ = 	snop  }
0x3b: {  	_ = 	snop  }
0x3c: {  	p2 =	seq.s32 s10, $0x1;
	s10 =	sld [smem:$0x3FA2]  }
0x3d: {  	_ =	shalt  }
0x3e: {  	_ =	shalt  }
0x3f: {  	_ =	shalt  }
0x40: {  	_ =	shalt  }
0x41: {  	_ =	shalt  }
0x42: {  	_ =	shalt  }
0x43: {  	_ =	shalt  }
0x44: {  	_ =	shalt  }
0x45: {  	_ =	shalt  }
0x46: {  	_ =	shalt  }
0x47: {  	_ =	shalt  }
0x48: {  	_ =	shalt  }
0x49: {  	_ =	shalt  }
0x4a: {  	_ =	shalt  }
0x4b: {  	_ =	shalt  }
0x4c: {  	_ =	shalt  }
0x4d: {  	_ =	shalt  }
0x4e: {  	_ =	shalt  }
0x4f: {  	_ =	shalt  }
0x50: {  	_ =	shalt  }
0x51: {  	_ =	shalt  }
0x52: {  	_ =	shalt  }
0x53: {  	_ =	shalt  }
0x54: {  	_ =	shalt  }
0x55: {  	_ =	shalt  }
0x56: {  	_ =	shalt  }
0x57: {  	_ =	shalt  }
0x58: {  	_ =	shalt  }
0x59: {  	_ =	shalt  }
0x5a: {  	_ =	shalt  }
0x5b: {  	_ =	shalt  }
0x5c: {  	_ =	shalt  }
0x5d: {  	_ =	shalt  }
0x5e: {  	_ =	shalt  }
0x5f: {  	_ =	shalt  }
0x60: {  	_ =	shalt  }
0x61: {  	_ =	shalt  }
0x62: {  	_ =	shalt  }
0x63: {  	_ =	shalt  }
0x64: {  	_ =	shalt  }
0x65: {  	_ =	shalt  }
0x66: {  	_ =	shalt  }
0x67: {  	_ =	shalt  }
0x68: {  	_ =	shalt  }
0x69: {  	_ =	shalt  }
0x6a: {  	_ =	shalt  }
0x6b: {  	_ =	shalt  }
0x6c: {  	_ =	shalt  }
0x6d: {  	_ =	shalt  }
0x6e: {  	_ =	shalt  }
0x6f: {  	_ =	shalt  }
0x70: {  	_ =	shalt  }
0x71: {  	_ =	shalt  }
0x72: {  	_ =	shalt  }
0x73: {  	_ =	shalt  }
0x74: {  	_ =	shalt  }
0x75: {  	_ =	shalt  }
0x76: {  	_ =	shalt  }
0x77: {  	_ =	shalt  }
0x78: {  	_ =	shalt  }
0x79: {  	_ =	shalt  }
0x7a: {  	_ =	shalt  }
0x7b: {  	_ =	shalt  }
0x7c: {  	_ =	shalt  }
0x7d: {  	_ =	shalt  }
0x7e: {  	_ =	shalt  }
0x7f: {  	_ =	shalt  }
0x80: {  	_ =	shalt  }
0x81: {  	_ =	shalt  }
0x82: {  	_ =	shalt  }
0x83: {  	_ =	shalt  }
0x84: {  	_ =	shalt  }
0x85: {  	_ =	shalt  }
0x86: {  	_ =	shalt  }
0x87: {  	_ =	shalt  }
.Lfunc_end0:
.L_simem_size_0:
called_computation_lowered:
.L_overlay_start_0:
0x88: {  	s2 =	sld [smem:$0x3FD9]  }
0x89: {  	s3 =	sld [smem:$0x3FFE];
	_ =	sdelay $0x1  }
0x8a: {  	s1 =	srdreg.scid  }
0x8b: {  	s0 =	sand.u32 $0x1, s1  }
0x8c: {  	s16 =	sshll.u32 s0, $0xA;
	s2 =	sadd.s32 s3, s2  }
0x8d: {  	s2 =	sadd.s32 s2, s16  }
0x8e: {  	[smem:$0x3FAE] =	sst s2  }
0x8f: {  	_ = 	snop  }
0x90: {  	(tm) =	ssettm $0x1  }
0x91: {  	s17 =	sld [smem:$0x3FFB];
	_ =	sdelay $0x3  }
0x92: {  	_ =	strace s17  }
0x93: {  	s2 =	sld [smem:$0x3FFC];
	_ =	sdelay $0x3  }
0x94: {  	_ =	strace s2  }
0x95: {  	s2 =	sld [smem:$0x3FFD];
	_ =	sdelay $0x3  }
0x96: {  	_ =	strace s2  }
0x97: {  	_ =	strace $0x8FFFFFFF  }
0x98: {  	s18 =	sld [smem:$0x3FDB];
	_ =	sdelay $0x1  }
0x99: {  	s19 =	simm.s32 $_scs_section_size  }
0x9a: {  	s4 =	simm.s32 $_size__tile_overlayer_lowered;
	s5 =	simm.s32 $_tile_overlayer_lowered  }
0x9b: {  	s22 =	simm.s32 $0x1BFF;
	s21 =	sshll.u32 s5, $0x1;
	s2 =	sadd.s32 s19, s18  }
0x9c: {  	s6 =	simm.s32 $0x0;
	s20 =	sshll.u32 s4, $0x1;
	s4 =	sadd.s32 s21, s2  }
0x9d: {  	[timem:s6], [sflag:s22] =	dma.local [hbm:s4], s20  }
0x9e: {  	_ =	swait.ge [sflag:s22], s20  }
0x9f: {  	s3 =	ssub.s32 $0x0, s20;
	[sflag:s22] =	ssyncset.done $0x0  }
0xa0: {  	[sflag:s22] =	ssyncadd.s32 s3;
	_ =	sdelay $0x1  }
0xa1: {  	s23 =	simm.s32 $0x1B8B  }
0xa2: {  	_ =	swait.ge [sflag:s23], $0x1  }
0xa3: {  	[sflag:s23] =	ssyncset.done $0x0  }
0xa4: {  	s25 =	simm.s32 $0x1B8E;
	s24 =	sld [smem:$0x3FFE];
	[sflag:s23] =	ssyncadd.s32 $0xFFFFFFFF  }
0xa5: {  	s26 =	simm.s32 $execute0_lowered;
	[smem:$0x3FD2] =	sst s25  }
0xa6: {  	s4 =	sshll.u32 s26, $0x1;
	_ =	strace $0x80000046;
	[dreg:$0x1] =	wrdreg $0xFFFFFFFF  }
0xa7: {  	s28 =	simm.s32 $_size_execute0_lowered;
	s2 =	sadd.s32 s2, s4;
	[dreg:$0x0] =	wrdreg $0x0  }
0xa8: {  	s4 =	sshll.u32 s28, $0x1;
	[dreg:$0x2] =	wrdreg s2  }
0xa9: {  	[dreg:$0x3] =	wrdreg s4  }
0xaa: {  	[dreg:$0x4] =	wrdreg $0xC0  }
0xab: {  	_ =	task [dreg:s6], $0x5FFFF  }
0xac: {  	[dreg:$0x1] =	wrdreg $0xFFFFFFFF  }
0xad: {  	[dreg:$0x0] =	wrdreg $0x60  }
0xae: {  	[dreg:$0x2] =	wrdreg s24  }
0xaf: {  	[dreg:$0x3] =	wrdreg $0x9  }
0xb0: {  	_ =	task.clear_ibuf [dreg:s6], $0x4FFFF;
	_ =	strace $0x90000046  }
0xb1: {  	s29 =	simm.s32 $0x9;
	_ =	strace $0x80000048  }
0xb2: {  	_ =	swait.ge [sflag:s29], $0x1  }
0xb3: {  	[sflag:s29] =	ssyncadd.s32 $0xFFFFFFFF  }
0xb4: {  	_ =	strace $0x90000048  }
0xb5: {  	_ =	sfence  }
0xb6: {  	s30 =	sld [smem:$0x0];
	_ =	sdelay $0x2  }
0xb7: {  	s31 =	sshll.u32 s1, $0xD;
	s1 =	sshrl.u32 s1, $0x2  }
0xb8: {  	s3 =	sand.u32 $0x4000, s31;
	s1 =	sadd.s32 s1, s30  }
0xb9: {  	s0 =	sor.u32 s3, s0;
	s1 =	sshll.u32 s1, $0x11  }
0xba: {  	s0 =	sor.u32 s1, s0  }
0xbb: {  	s0 =	sadd.s32 $0x8F2B, s0  }
0xbc: {  	[sflag:s0] =	ssyncadd.remote.s32 $0x1  }
0xbd: {  	_ =	sfence.sel $0xFFFF  }
0xbe: {  	[dreg:$0x0] =	wrdreg $0xFFFFFFFF;
	(pc) =	sbr.abs _section_cstart, $3  }
0xbf: {  	[dreg:$0x1] =	wrdreg $0xFFFFFFFF  }
0xc0: {  	_ =	task.clear_ibuf [dreg:s6], $0x2FFFF;
	_ =	strace $0x9FFFFFFF  }
0xc1: {  	(tm) =	ssettm $0x7FFFFFFF  }
tec
execute0_lowered:
.L_overlay_start_1:
0x0: {  	(tag) =	ssettag $0x1  }
0x1: {  	s0 =	srdreg.scid  }
0x2: {  	s4 =	rddreg [dreg:$0x0];
	s2 =	simm.s32 $0x0;
	s3 =	sand.u32 $0x1, s0  }
0x3: {  	s8 =	simm.s32 $0x2780;
	s0 =	stileid.u32;
	s1 =	sshll.u32 s3, $0x4  }
0x4: {  	s9 =	simm.s32 $0x80;
	s10 =	simm.s32 $0x400;
	s5 =	sor.u32 s0, s1  }
0x5: {  	s11 =	simm.s32 $0x0;
	[smem:$0x7FF] =	sst s2;
	s6 =	sshrl.u32 s5, $0x3  }
0x6: {  	s7 =	sshll.u32 s0, $0x7;
	s30 =	ssub.s32 $0x2, s3;
	s6 =	smul.u32 $0x14000, s6  }
0x7: {  	s3 =	sadd.s32 $0x11600, s4;
	s7 =	sand.u32 $0x380, s7;
	s5 =	smul.u32 $0x4E2, s5  }
0x8: {  	s1 =	rddreg [dreg:$0x1];
	_ =	strace $0x80000047;
	s6 =	sor.u32 s7, s6  }
0x9: {  	s31 =	sshrl.u32 s30, $0x1;
	s5 =	sadd.s32 s5, s4;
	s6 =	sshrl.u32 s6, $0x3  }
0xa: {  	s7 =	ssub.s32 s30, s31;
	s6 =	sadd.s32 s6, s4;
	s4 =	sadd.s32 $0x7800, s5  }
0xb: {  	v0 =	vimm.f32 $1.000000000e+00;
	s5 =	sadd.s32 $0x11C00, s6;
	s6 =	smax.u32 s7, $0x1;
	s7 =	simm.s32 $0x1  }
.LBB2_1:
0xc: {  	[tilespmem:s2], [sflag:$0x1] =	stream.linear.gather [hbm4b:s4+s2], $0x2710, $0x38;
	[tilespmem:$0x4F80] =	vst v63  }
0xd: {  	_ =	swait.ge [sflag:s7], $0x2710  }
0xe: {  	[sflag:s7] =	ssyncset.done $0x0  }
0xf: {  	[sflag:s7] =	ssyncadd.s32 $0xFFFFD8F0  }
0x10: {  	[tilespmem:s8], [sflag:$0x1] =	stream.linear.gather [hbm4b:s3+s2], $0x2800, $0x38;
	[tilespmem:$0x4F80] =	vst v63  }
0x11: {  	_ =	swait.ge [sflag:s7], $0x2800  }
0x12: {  	[sflag:s7] =	ssyncset.done $0x0  }
0x13: {  	s13 =	simm.s32 $0x0;
	s12 =	simm.s32 $0x40;
	[sflag:s7] =	ssyncadd.s32 $0xFFFFD800  }
.LBB2_2:
0x14: {  	p0 =	sne.s32 s12, $0x9C00;
	v1 =	vld [tilespmem:s13+$0x0];
	_ =	sdelay $0x3  }
.Ltmp0:
0x15: {  	(pc) =	sbr.rel @p0 .LBB2_2-.Ltmp0, $2  }
0x16: {  	_ =	sdelay $0x2  }
0x17: {  	s13 =	sshra.s32 s12, $0x2;
	s12 =	sadd.s32 $0x40, s12;
	[tilespmem:v1+s8+$0x0] =	vst.idx.add.f32.msk $0xffff, v0  }
0x18: {  	v1 =	vld [tilespmem:s13+$0x0];
	_ =	sdelay $0x5  }
0x19: {  	s11 =	sadd.s32 $0x1, s11  }
0x1a: {  	p0 =	sne.s32 s11, s6  }
.Ltmp1:
0x1b: {  	[tilespmem:v1+s8+$0x0] =	vst.idx.add.f32.msk $0xffff, v0;
	(pc) =	sbr.rel @p0 .LBB2_1-.Ltmp1, $4  }
0x1c: {  	[hbm4b:s5+s9] =	stream.strided.scatter [tilespmem:s8], [sflag:$0x1], $0x2800, s10, s9, $0x38;
	[tilespmem:$0x4F80] =	vst v63  }
0x1d: {  	_ =	swait.ge [sflag:s7], $0x2800  }
0x1e: {  	[sflag:s7] =	ssyncset.done $0x0  }
0x1f: {  	[sflag:s7] =	ssyncadd.s32 $0xFFFFD800  }
0x20: {  	_ =	sfence.sel $0x180000  }
0x21: {  	[bflag:$0x0] =	sbarrier.arrive $0xFFFF  }
0x22: {  	p0 =	sne.s32 s0, $0x0;
	_ =	strace $0x90000047  }
0x23: {  	s0 =	sadd.s32 @!p0 $0x100000, s1;
	[bflag:$0x2] =	sbarrier.arrive $0xFFFF  }
0x24: {  	[sflag:s0] =	ssyncadd.tile.s32 @!p0 $0x1;
	_ =	shalt  }
.Lfunc_end2:
_tile_overlayer_lowered:
.L_overlay_start_2:
0x25: {  	(tag) =	ssettag $0x2  }
0x26: {  	s0 =	rddreg [dreg:$0x0];
	s2 =	stileid.u32  }
0x27: {  	s1 =	rddreg [dreg:$0x1];
	p0 =	sne.s32 s2, $0x0  }
0x28: {  	s3 =	rddreg [dreg:$0x2];
	[bflag:$0x3] =	sbarrier.arrive $0xFFFF;
	s2 =	simm.s32 @!p0 $0x1C01  }
0x29: {  	[timem:s3], [sflag:s2] =	dma.local @!p0 [hbm:s0], s1  }
0x2a: {  	s0 =	simm.s32 @!p0 $0x1  }
0x2b: {  	_ =	swait.ge @!p0 [sflag:s0], s1  }
0x2c: {  	s1 =	ssub.s32 @!p0 $0x0, s1;
	[sflag:s0] =	ssyncset.done @!p0 $0x0  }
0x2d: {  	[sflag:s0] =	ssyncadd.s32 @!p0 s1  }
0x2e: {  	[bflag:$0x3] =	sbarrier.arrive $0xFFFF  }
0x2f: {  	_ =	shalt  }

// kernel: kernel.15.cloned.1.call-start
scs
__scs_entry_jumppad:
0x0: {  	(pc) =	sbr.rel $0x88, $3  }
0x1: {  	(tag) =	ssettag $0x0;
	lr =	simm.s32 $0x1  }
0x2: {  	[smem:$0x3F87] =	sst lr;
	_ =	strace $0xD0000000  }
0x3: {  	_ = 	snop  }
0x4: {  	_ = 	snop  }
0x5: {  	_ = 	snop  }
0x6: {  	_ = 	snop  }
0x7: {  	_ = 	snop  }
__scs_overlays_trampoline_lowered:
0x8: {  	[smem:$0x3F96] =	sst s0  }
0x9: {  	[smem:$0x3F97] =	sst s1  }
0xa: {  	[smem:$0x3F98] =	sst s2  }
0xb: {  	[smem:$0x3F99] =	sst s3  }
0xc: {  	[smem:$0x3F9A] =	sst s4  }
0xd: {  	[smem:$0x3F9B] =	sst s5  }
0xe: {  	[smem:$0x3F9C] =	sst s6  }
0xf: {  	[smem:$0x3F9D] =	sst s7  }
0x10: {  	[smem:$0x3F9E] =	sst s8  }
0x11: {  	[smem:$0x3F9F] =	sst s9;
	s0 =	simm.s32 @!p0 $0x0  }
0x12: {  	s1 =	sld [smem:$0x3F85];
	s0 =	simm.s32 @p0 $0x1  }
0x13: {  	[smem:$0x3FA0] =	sst s0;
	s0 =	simm.s32 @!p1 $0x0  }
0x14: {  	s2 =	sld [smem:$0x3F84];
	s0 =	simm.s32 @p1 $0x1  }
0x15: {  	[smem:$0x3FA1] =	sst s0;
	s0 =	simm.s32 @!p2 $0x0  }
0x16: {  	s3 =	sld [smem:$0x3FDB];
	s0 =	simm.s32 @p2 $0x1  }
0x17: {  	s4 =	simm.s32 $0x1BF5;
	[smem:$0x3FA3] =	sst s0  }
0x18: {  	s0 =	sld [smem:$0x3F86];
	_ =	swait.ge [sflag:s4], $0x0  }
0x19: {  	s7 =	sld [smem:$0x3F87]  }
0x1a: {  	s8 =	sadd.s32 $0xFFFFE003, lr  }
0x1b: {  	s9 =	sadd.s32 $0xFFFFFEF7, lr;
	s5 =	simm.s32 $0xFFFFFFFF;
	p2 =	slt.u32 s8, $0xFFFFF086  }
0x1c: {  	p1 =	slt.u32 s9, $0xF7A;
	s5 =	simm.s32 @!p2 $0x0  }
0x1d: {  	s5 =	simm.s32 @p1 $0x1;
	p0 =	seq.s32 s7, s2  }
0x1e: {  	s7 =	smul.u32 @!p0 $0xF7A, s2;
	p2 =	seq.s32 @!p0 s5, $0x0  }
0x1f: {  	s9 =	smul.u32 $0xF7A, s1;
	s8 =	simm.s32 @!p0 $0x1BF5;
	p2 =	por !p2, p0  }
0x20: {  	[sflag:s8] =	ssyncset.s32 @!p0 $0xFFFFF086;
	s6 =	sadd.s32 @!p0 s3, s7;
	s7 =	simm.s32 @!p0 $0x108  }
0x21: {  	s3 =	sadd.s32 s3, s9;
	s6 =	sadd.s32 @!p0 $0x88, s6;
	s7 =	simm.s32 @p2 $0x1082  }
0x22: {  	[simem:s7], [sflag:s8] =	dma.local @!p0 [hbm:s6], $0xF7A  }
0x23: {  	s9 =	sor.u32 $0xD0000000, s2;
	s6 =	simm.s32 $0x108;
	_ =	swait.ge @!p0 [sflag:s8], $0x0  }
0x24: {  	s3 =	sadd.s32 $0x88, s3;
	s6 =	simm.s32 @!p1 $0x1082;
	[sflag:s4] =	ssyncset.s32 $0xFFFFF086  }
0x25: {  	[simem:s6], [sflag:s4] =	dma.local [hbm:s3], $0xF7A  }
0x26: {  	[smem:$0x3F87] =	sst s1;
	(tag) =	ssettag s2;
	_ =	strace s9  }
0x27: {  	s1 =	sld [smem:$0x3F97]  }
0x28: {  	s2 =	sld [smem:$0x3F98]  }
0x29: {  	s4 =	sld [smem:$0x3F9A]  }
0x2a: {  	p0 =	seq.s32 s5, $0x0;
	s5 =	sld [smem:$0x3F9B]  }
0x2b: {  	s6 =	sld [smem:$0x3F9C]  }
0x2c: {  	s7 =	sld [smem:$0x3F9D]  }
0x2d: {  	s3 =	simm.s32 $0x108;
	s8 =	sld [smem:$0x3F9E]  }
0x2e: {  	s3 =	simm.s32 @!p0 $0x1082;
	s9 =	sld [smem:$0x3F9F]  }
0x2f: {  	lr =	sadd.s32 s0, s3;
	s0 =	sld [smem:$0x3F96]  }
0x30: {  	s3 =	sld [smem:$0x3F99]  }
0x31: {  	[smem:$0x3FA2] =	sst s10  }
0x32: {  	s10 =	sld [smem:$0x3FA0];
	_ =	sdelay $0x3  }
0x33: {  	p0 =	seq.s32 s10, $0x1;
	s10 =	sld [smem:$0x3FA2];
	_ =	sdelay $0x3  }
0x34: {  	[smem:$0x3FA2] =	sst s10  }
0x35: {  	s10 =	sld [smem:$0x3FA1];
	_ =	sdelay $0x3  }
0x36: {  	p1 =	seq.s32 s10, $0x1;
	s10 =	sld [smem:$0x3FA2];
	_ =	sdelay $0x3  }
0x37: {  	[smem:$0x3FA2] =	sst s10  }
0x38: {  	s10 =	sld [smem:$0x3FA3]  }
0x39: {  	_ = 	snop;
	(pc) =	sbr.ind lr, $3  }
0x3a: {  	_ = 	snop  }
0x3b: {  	_ = 	snop  }
0x3c: {  	p2 =	seq.s32 s10, $0x1;
	s10 =	sld [smem:$0x3FA2]  }
0x3d: {  	_ =	shalt  }
0x3e: {  	_ =	shalt  }
0x3f: {  	_ =	shalt  }
0x40: {  	_ =	shalt  }
0x41: {  	_ =	shalt  }
0x42: {  	_ =	shalt  }
0x43: {  	_ =	shalt  }
0x44: {  	_ =	shalt  }
0x45: {  	_ =	shalt  }
0x46: {  	_ =	shalt  }
0x47: {  	_ =	shalt  }
0x48: {  	_ =	shalt  }
0x49: {  	_ =	shalt  }
0x4a: {  	_ =	shalt  }
0x4b: {  	_ =	shalt  }
0x4c: {  	_ =	shalt  }
0x4d: {  	_ =	shalt  }
0x4e: {  	_ =	shalt  }
0x4f: {  	_ =	shalt  }
0x50: {  	_ =	shalt  }
0x51: {  	_ =	shalt  }
0x52: {  	_ =	shalt  }
0x53: {  	_ =	shalt  }
0x54: {  	_ =	shalt  }
0x55: {  	_ =	shalt  }
0x56: {  	_ =	shalt  }
0x57: {  	_ =	shalt  }
0x58: {  	_ =	shalt  }
0x59: {  	_ =	shalt  }
0x5a: {  	_ =	shalt  }
0x5b: {  	_ =	shalt  }
0x5c: {  	_ =	shalt  }
0x5d: {  	_ =	shalt  }
0x5e: {  	_ =	shalt  }
0x5f: {  	_ =	shalt  }
0x60: {  	_ =	shalt  }
0x61: {  	_ =	shalt  }
0x62: {  	_ =	shalt  }
0x63: {  	_ =	shalt  }
0x64: {  	_ =	shalt  }
0x65: {  	_ =	shalt  }
0x66: {  	_ =	shalt  }
0x67: {  	_ =	shalt  }
0x68: {  	_ =	shalt  }
0x69: {  	_ =	shalt  }
0x6a: {  	_ =	shalt  }
0x6b: {  	_ =	shalt  }
0x6c: {  	_ =	shalt  }
0x6d: {  	_ =	shalt  }
0x6e: {  	_ =	shalt  }
0x6f: {  	_ =	shalt  }
0x70: {  	_ =	shalt  }
0x71: {  	_ =	shalt  }
0x72: {  	_ =	shalt  }
0x73: {  	_ =	shalt  }
0x74: {  	_ =	shalt  }
0x75: {  	_ =	shalt  }
0x76: {  	_ =	shalt  }
0x77: {  	_ =	shalt  }
0x78: {  	_ =	shalt  }
0x79: {  	_ =	shalt  }
0x7a: {  	_ =	shalt  }
0x7b: {  	_ =	shalt  }
0x7c: {  	_ =	shalt  }
0x7d: {  	_ =	shalt  }
0x7e: {  	_ =	shalt  }
0x7f: {  	_ =	shalt  }
0x80: {  	_ =	shalt  }
0x81: {  	_ =	shalt  }
0x82: {  	_ =	shalt  }
0x83: {  	_ =	shalt  }
0x84: {  	_ =	shalt  }
0x85: {  	_ =	shalt  }
0x86: {  	_ =	shalt  }
0x87: {  	_ =	shalt  }
.Lfunc_end0:
.L_simem_size_0:
called_computation.1_lowered:
.L_overlay_start_0:
0x88: {  	s2 =	sld [smem:$0x3FD9]  }
0x89: {  	s3 =	sld [smem:$0x3FFE];
	_ =	sdelay $0x1  }
0x8a: {  	s1 =	srdreg.scid  }
0x8b: {  	s0 =	sand.u32 $0x1, s1  }
0x8c: {  	s16 =	sshll.u32 s0, $0xA;
	s2 =	sadd.s32 s3, s2  }
0x8d: {  	s2 =	sadd.s32 s2, s16  }
0x8e: {  	[smem:$0x3FAE] =	sst s2  }
0x8f: {  	_ = 	snop  }
0x90: {  	(tm) =	ssettm $0x1  }
0x91: {  	s17 =	sld [smem:$0x3FFB];
	_ =	sdelay $0x3  }
0x92: {  	_ =	strace s17  }
0x93: {  	s2 =	sld [smem:$0x3FFC];
	_ =	sdelay $0x3  }
0x94: {  	_ =	strace s2  }
0x95: {  	s2 =	sld [smem:$0x3FFD];
	_ =	sdelay $0x3  }
0x96: {  	_ =	strace s2  }
0x97: {  	_ =	strace $0x8FFFFFFF  }
0x98: {  	s18 =	sld [smem:$0x3FDB];
	_ =	sdelay $0x1  }
0x99: {  	s19 =	simm.s32 $_scs_section_size  }
0x9a: {  	s4 =	simm.s32 $_size__tile_overlayer_lowered;
	s5 =	simm.s32 $_tile_overlayer_lowered  }
0x9b: {  	s22 =	simm.s32 $0x1BFF;
	s21 =	sshll.u32 s5, $0x1;
	s2 =	sadd.s32 s19, s18  }
0x9c: {  	s6 =	simm.s32 $0x0;
	s20 =	sshll.u32 s4, $0x1;
	s4 =	sadd.s32 s21, s2  }
0x9d: {  	[timem:s6], [sflag:s22] =	dma.local [hbm:s4], s20  }
0x9e: {  	_ =	swait.ge [sflag:s22], s20  }
0x9f: {  	s3 =	ssub.s32 $0x0, s20;
	[sflag:s22] =	ssyncset.done $0x0  }
0xa0: {  	[sflag:s22] =	ssyncadd.s32 s3;
	_ =	sdelay $0x1  }
0xa1: {  	s23 =	simm.s32 $0x1B8B  }
0xa2: {  	_ =	swait.ge [sflag:s23], $0x1  }
0xa3: {  	[sflag:s23] =	ssyncset.done $0x0  }
0xa4: {  	s25 =	simm.s32 $0x1B8E;
	s24 =	sld [smem:$0x3FFE];
	[sflag:s23] =	ssyncadd.s32 $0xFFFFFFFF  }
0xa5: {  	s26 =	simm.s32 $execute0_lowered;
	[smem:$0x3FD2] =	sst s25  }
0xa6: {  	s4 =	sshll.u32 s26, $0x1;
	_ =	strace $0x80000049;
	[dreg:$0x1] =	wrdreg $0xFFFFFFFF  }
0xa7: {  	s28 =	simm.s32 $_size_execute0_lowered;
	s2 =	sadd.s32 s2, s4;
	[dreg:$0x0] =	wrdreg $0x0  }
0xa8: {  	s4 =	sshll.u32 s28, $0x1;
	[dreg:$0x2] =	wrdreg s2  }
0xa9: {  	[dreg:$0x3] =	wrdreg s4  }
0xaa: {  	[dreg:$0x4] =	wrdreg $0xC0  }
0xab: {  	_ =	task [dreg:s6], $0x5FFFF  }
0xac: {  	[dreg:$0x1] =	wrdreg $0xFFFFFFFF  }
0xad: {  	[dreg:$0x0] =	wrdreg $0x60  }
0xae: {  	[dreg:$0x2] =	wrdreg s24  }
0xaf: {  	[dreg:$0x3] =	wrdreg $0x90000  }
0xb0: {  	[dreg:$0x4] =	wrdreg $0x9  }
0xb1: {  	_ =	task.clear_ibuf [dreg:s6], $0x5FFFF;
	_ =	strace $0x90000049  }
0xb2: {  	s29 =	simm.s32 $0x9;
	_ =	strace $0x8000004B  }
0xb3: {  	_ =	swait.ge [sflag:s29], $0x1  }
0xb4: {  	[sflag:s29] =	ssyncadd.s32 $0xFFFFFFFF  }
0xb5: {  	_ =	strace $0x9000004B  }
0xb6: {  	_ =	sfence  }
0xb7: {  	s30 =	sld [smem:$0x0];
	_ =	sdelay $0x2  }
0xb8: {  	s31 =	sshll.u32 s1, $0xD;
	s1 =	sshrl.u32 s1, $0x2  }
0xb9: {  	s3 =	sand.u32 $0x4000, s31;
	s1 =	sadd.s32 s1, s30  }
0xba: {  	s0 =	sor.u32 s3, s0;
	s1 =	sshll.u32 s1, $0x11  }
0xbb: {  	s0 =	sor.u32 s1, s0  }
0xbc: {  	s0 =	sadd.s32 $0x8F2B, s0  }
0xbd: {  	[sflag:s0] =	ssyncadd.remote.s32 $0x1  }
0xbe: {  	_ =	sfence.sel $0xFFFF  }
0xbf: {  	[dreg:$0x0] =	wrdreg $0xFFFFFFFF;
	(pc) =	sbr.abs _section_cstart, $3  }
0xc0: {  	[dreg:$0x1] =	wrdreg $0xFFFFFFFF  }
0xc1: {  	_ =	task.clear_ibuf [dreg:s6], $0x2FFFF;
	_ =	strace $0x9FFFFFFF  }
0xc2: {  	(tm) =	ssettm $0x7FFFFFFF  }
0xc3: {  	_ =	shalt  }
tec
execute0_lowered:
.L_overlay_start_1:
0x0: {  	(tag) =	ssettag $0x1  }
0x1: {  	s0 =	srdreg.scid;
	s6 =	rddreg [dreg:$0x0]  }
0x2: {  	s2 =	rddreg [dreg:$0x1];
	s5 =	sand.u32 $0x1, s0  }
0x3: {  	s0 =	stileid.u32;
	s4 =	smul.u32 $0x28000, s5  }
0x4: {  	s1 =	rddreg [dreg:$0x2];
	s3 =	simm.s32 $0x0;
	s7 =	smul.u32 $0x2800, s0  }
0x5: {  	s14 =	simm.s32 $0x80;
	s15 =	simm.s32 $0x5000;
	s8 =	smul.u32 $0x140000, s5  }
0x6: {  	s16 =	simm.s32 $0x0;
	[smem:$0x7FF] =	sst s3;
	s26 =	smul.u32 $0x14000, s0  }
0x7: {  	_ =	strace $0x8000004A;
	s28 =	ssub.s32 $0x2, s5;
	s10 =	smul.u32 $0x50000, s0  }
0x8: {  	s5 =	sadd.s32 $0x7800, s6;
	s31 =	sshll.u32 s0, $0x6;
	s29 =	sshrl.u32 s28, $0x1  }
0x9: {  	s4 =	sadd.s32 s7, s4;
	s7 =	sadd.s32 s26, s8;
	s12 =	ssub.s32 s28, s29  }
0xa: {  	s30 =	sshrl.u32 s10, $0x2;
	s9 =	sshrl.u32 s4, $0x3;
	s4 =	sadd.s32 $0x2FC00, s6  }
0xb: {  	s7 =	sshrl.u32 s7, $0x3;
	s13 =	sadd.s32 s30, s2;
	s10 =	smax.u32 s12, $0x1  }
0xc: {  	s12 =	simm.s32 $0x1;
	s9 =	sadd.s32 s9, s6;
	s11 =	sadd.s32 s7, s6  }
0xd: {  	s6 =	sor.u32 $0x1C01, s31;
	s7 =	sadd.s32 $0x25C00, s9;
	s8 =	sadd.s32 $0x1BC00, s9  }
0xe: {  	s9 =	sadd.s32 $0x57C00, s11;
	s11 =	sshrl.u32 s13, $0x3;
	s13 =	simm.s32 $0x2800  }
.LBB2_1:
0xf: {  	[spmem:s11], [sflag:s6] =	dma.local [hbm:s5], $0x2800  }
0x10: {  	_ =	swait.ge [sflag:s12], $0x2800  }
0x11: {  	[sflag:s12] =	ssyncset.done $0x0  }
0x12: {  	[sflag:s12] =	ssyncadd.s32 $0xFFFFD800  }
0x13: {  	[tilespmem:s3], [sflag:$0x1] =	stream.linear.gather [hbm4b:s7+s3], $0x2780, $0x38;
	[tilespmem:$0x1D000] =	vst v63  }
0x14: {  	_ =	swait.ge [sflag:s12], $0x2780  }
0x15: {  	[sflag:s12] =	ssyncset.done $0x0  }
0x16: {  	[sflag:s12] =	ssyncadd.s32 $0xFFFFD880  }
0x17: {  	[tilespmem:s13], [sflag:$0x1] =	stream.linear.gather [hbm4b:s8+s3], $0x2780, $0x38;
	[tilespmem:$0x1D000] =	vst v63  }
0x18: {  	_ =	swait.ge [sflag:s12], $0x2780  }
0x19: {  	[sflag:s12] =	ssyncset.done $0x0  }
0x1a: {  	[sflag:s12] =	ssyncadd.s32 $0xFFFFD880  }
0x1b: {  	s17 =	simm.s32 $0x0;
	[bflag:$0x0] =	sbarrier.arrive $0xFFFF  }
0x1c: {  	[tilespmem:s15], [sflag:$0x1] =	stream.indirect.gather [hbm4b:s4+s14], $0x80, s17, s14, $0xb8;
	[tilespmem:$0x1D000] =	vst v63  }
0x1d: {  	_ =	swait.ge [sflag:s12], $0x4000  }
0x1e: {  	[sflag:s12] =	ssyncset.done $0x0  }
0x1f: {  	s31 =	simm.s32 $0x2800;
	[sflag:s12] =	ssyncadd.s32 $0xFFFFC000  }
0x20: {  	[spmem:s2] =	stream.indirect.scatter.add.f32 [tilespmem:s15], [sflag:$0x1], $0x80, s31, s14, $0xb8;
	[tilespmem:$0x1D000] =	vst v63  }
0x21: {  	_ =	swait.ge [sflag:s12], $0x4000  }
0x22: {  	s18 =	simm.s32 $0x400;
	s17 =	simm.s32 $0x200;
	[sflag:s12] =	ssyncset.done $0x0  }
.LBB2_2:
0x23: {  	s19 =	sshra.s32 s17, $0x2  }
0x24: {  	[sflag:s12] =	ssyncadd.s32 $0xFFFFC000;
	s17 =	smov.u32 s18;
	s20 =	sadd.s32 $0x200, s18  }
0x25: {  	[tilespmem:s15], [sflag:$0x1] =	stream.indirect.gather [hbm4b:s4+s14], $0x80, s19, s14, $0xb8;
	[tilespmem:$0x1D000] =	vst v63  }
0x26: {  	p0 =	sne.s32 s18, $0x9C00;
	_ =	swait.ge [sflag:s12], $0x4000  }
.Ltmp0:
0x27: {  	[sflag:s12] =	ssyncset.done $0x0;
	(pc) =	sbr.rel @p0 .LBB2_2-.Ltmp0, $4  }
0x28: {  	s18 =	sadd.s32 $0x2800, s19;
	[sflag:s12] =	ssyncadd.s32 $0xFFFFC000  }
0x29: {  	[spmem:s2] =	stream.indirect.scatter.add.f32 [tilespmem:s15], [sflag:$0x1], $0x80, s18, s14, $0xb8;
	[tilespmem:$0x1D000] =	vst v63  }
0x2a: {  	_ =	swait.ge [sflag:s12], $0x4000  }
0x2b: {  	s18 =	smov.u32 s20;
	[sflag:s12] =	ssyncset.done $0x0  }
0x2c: {  	s17 =	sshra.s32 s17, $0x2;
	[sflag:s12] =	ssyncadd.s32 $0xFFFFC000  }
0x2d: {  	[tilespmem:s15], [sflag:$0x1] =	stream.indirect.gather [hbm4b:s4+s14], $0x80, s17, s14, $0xb8;
	[tilespmem:$0x1D000] =	vst v63  }
0x2e: {  	_ =	swait.ge [sflag:s12], $0x4000  }
0x2f: {  	[sflag:s12] =	ssyncset.done $0x0  }
0x30: {  	s17 =	sadd.s32 $0x2800, s17;
	[sflag:s12] =	ssyncadd.s32 $0xFFFFC000  }
0x31: {  	[spmem:s2] =	stream.indirect.scatter.add.f32 [tilespmem:s15], [sflag:$0x1], $0x80, s17, s14, $0xb8;
	[tilespmem:$0x1D000] =	vst v63  }
0x32: {  	_ =	swait.ge [sflag:s12], $0x4000  }
0x33: {  	s16 =	sadd.s32 $0x1, s16;
	[sflag:s12] =	ssyncset.done $0x0  }
0x34: {  	p0 =	sne.s32 s16, s10;
	[sflag:s12] =	ssyncadd.s32 $0xFFFFC000  }
.Ltmp1:
0x35: {  	[bflag:$0x0] =	sbarrier.arrive $0xFFFF;
	(pc) =	sbr.rel @p0 .LBB2_1-.Ltmp1, $4  }
0x36: {  	[hbm:s9], [sflag:s6] =	dma.local [spmem:s11], $0x2800  }
0x37: {  	_ =	swait.ge [sflag:s12], $0x2800  }
0x38: {  	[sflag:s12] =	ssyncset.done $0x0  }
0x39: {  	[sflag:s12] =	ssyncadd.s32 $0xFFFFD800  }
0x3a: {  	_ =	sfence.sel $0x180000  }
0x3b: {  	[bflag:$0x0] =	sbarrier.arrive $0xFFFF  }
0x3c: {  	p0 =	sne.s32 s0, $0x0;
	_ =	strace $0x9000004A  }
0x3d: {  	s0 =	sadd.s32 @!p0 $0x100000, s1;
	[bflag:$0x2] =	sbarrier.arrive $0xFFFF  }
0x3e: {  	[sflag:s0] =	ssyncadd.tile.s32 @!p0 $0x1;
	_ =	shalt  }
.Lfunc_end2:
_tile_overlayer_lowered:
.L_overlay_start_2:
0x3f: {  	(tag) =	ssettag $0x2  }
0x40: {  	s0 =	rddreg [dreg:$0x0];
	s2 =	stileid.u32  }
0x41: {  	s1 =	rddreg [dreg:$0x1];
	p0 =	sne.s32 s2, $0x0  }
0x42: {  	s3 =	rddreg [dreg:$0x2];
	[bflag:$0x3] =	sbarrier.arrive $0xFFFF;
	s2 =	simm.s32 @!p0 $0x1C01  }
0x43: {  	[timem:s3], [sflag:s2] =	dma.local @!p0 [hbm:s0], s1  }
0x44: {  	s0 =	simm.s32 @!p0 $0x1  }
0x45: {  	_ =	swait.ge @!p0 [sflag:s0], s1  }
0x46: {  	s1 =	ssub.s32 @!p0 $0x0, s1;
	[sflag:s0] =	ssyncset.done @!p0 $0x0  }
0x47: {  	[sflag:s0] =	ssyncadd.s32 @!p0 s1  }
0x48: {  	[bflag:$0x3] =	sbarrier.arrive $0xFFFF  }
0x49: {  	_ =	shalt  }

// kernel: kernel.18.cloned.1.call-start
scs
__scs_entry_jumppad:
0x0: {  	(pc) =	sbr.rel $0x88, $3  }
0x1: {  	(tag) =	ssettag $0x0;
	lr =	simm.s32 $0x1  }
0x2: {  	[smem:$0x3F87] =	sst lr;
	_ =	strace $0xD0000000  }
0x3: {  	_ = 	snop  }
0x4: {  	_ = 	snop  }
0x5: {  	_ = 	snop  }
0x6: {  	_ = 	snop  }
0x7: {  	_ = 	snop  }
__scs_overlays_trampoline_lowered:
0x8: {  	[smem:$0x3F96] =	sst s0  }
0x9: {  	[smem:$0x3F97] =	sst s1  }
0xa: {  	[smem:$0x3F98] =	sst s2  }
0xb: {  	[smem:$0x3F99] =	sst s3  }
0xc: {  	[smem:$0x3F9A] =	sst s4  }
0xd: {  	[smem:$0x3F9B] =	sst s5  }
0xe: {  	[smem:$0x3F9C] =	sst s6  }
0xf: {  	[smem:$0x3F9D] =	sst s7  }
0x10: {  	[smem:$0x3F9E] =	sst s8  }
0x11: {  	[smem:$0x3F9F] =	sst s9;
	s0 =	simm.s32 @!p0 $0x0  }
0x12: {  	s1 =	sld [smem:$0x3F85];
	s0 =	simm.s32 @p0 $0x1  }
0x13: {  	[smem:$0x3FA0] =	sst s0;
	s0 =	simm.s32 @!p1 $0x0  }
0x14: {  	s2 =	sld [smem:$0x3F84];
	s0 =	simm.s32 @p1 $0x1  }
0x15: {  	[smem:$0x3FA1] =	sst s0;
	s0 =	simm.s32 @!p2 $0x0  }
0x16: {  	s3 =	sld [smem:$0x3FDB];
	s0 =	simm.s32 @p2 $0x1  }
0x17: {  	s4 =	simm.s32 $0x1BF5;
	[smem:$0x3FA3] =	sst s0  }
0x18: {  	s0 =	sld [smem:$0x3F86];
	_ =	swait.ge [sflag:s4], $0x0  }
0x19: {  	s7 =	sld [smem:$0x3F87]  }
0x1a: {  	s8 =	sadd.s32 $0xFFFFE003, lr  }
0x1b: {  	s9 =	sadd.s32 $0xFFFFFEF7, lr;
	s5 =	simm.s32 $0xFFFFFFFF;
	p2 =	slt.u32 s8, $0xFFFFF086  }
0x1c: {  	p1 =	slt.u32 s9, $0xF7A;
	s5 =	simm.s32 @!p2 $0x0  }
0x1d: {  	s5 =	simm.s32 @p1 $0x1;
	p0 =	seq.s32 s7, s2  }
0x1e: {  	s7 =	smul.u32 @!p0 $0xF7A, s2;
	p2 =	seq.s32 @!p0 s5, $0x0  }
0x1f: {  	s9 =	smul.u32 $0xF7A, s1;
	s8 =	simm.s32 @!p0 $0x1BF5;
	p2 =	por !p2, p0  }
0x20: {  	[sflag:s8] =	ssyncset.s32 @!p0 $0xFFFFF086;
	s6 =	sadd.s32 @!p0 s3, s7;
	s7 =	simm.s32 @!p0 $0x108  }
0x21: {  	s3 =	sadd.s32 s3, s9;
	s6 =	sadd.s32 @!p0 $0x88, s6;
	s7 =	simm.s32 @p2 $0x1082  }
0x22: {  	[simem:s7], [sflag:s8] =	dma.local @!p0 [hbm:s6], $0xF7A  }
0x23: {  	s9 =	sor.u32 $0xD0000000, s2;
	s6 =	simm.s32 $0x108;
	_ =	swait.ge @!p0 [sflag:s8], $0x0  }
0x24: {  	s3 =	sadd.s32 $0x88, s3;
	s6 =	simm.s32 @!p1 $0x1082;
	[sflag:s4] =	ssyncset.s32 $0xFFFFF086  }
0x25: {  	[simem:s6], [sflag:s4] =	dma.local [hbm:s3], $0xF7A  }
0x26: {  	[smem:$0x3F87] =	sst s1;
	(tag) =	ssettag s2;
	_ =	strace s9  }
0x27: {  	s1 =	sld [smem:$0x3F97]  }
0x28: {  	s2 =	sld [smem:$0x3F98]  }
0x29: {  	s4 =	sld [smem:$0x3F9A]  }
0x2a: {  	p0 =	seq.s32 s5, $0x0;
	s5 =	sld [smem:$0x3F9B]  }
0x2b: {  	s6 =	sld [smem:$0x3F9C]  }
0x2c: {  	s7 =	sld [smem:$0x3F9D]  }
0x2d: {  	s3 =	simm.s32 $0x108;
	s8 =	sld [smem:$0x3F9E]  }
0x2e: {  	s3 =	simm.s32 @!p0 $0x1082;
	s9 =	sld [smem:$0x3F9F]  }
0x2f: {  	lr =	sadd.s32 s0, s3;
	s0 =	sld [smem:$0x3F96]  }
0x30: {  	s3 =	sld [smem:$0x3F99]  }
0x31: {  	[smem:$0x3FA2] =	sst s10  }
0x32: {  	s10 =	sld [smem:$0x3FA0];
	_ =	sdelay $0x3  }
0x33: {  	p0 =	seq.s32 s10, $0x1;
	s10 =	sld [smem:$0x3FA2];
	_ =	sdelay $0x3  }
0x34: {  	[smem:$0x3FA2] =	sst s10  }
0x35: {  	s10 =	sld [smem:$0x3FA1];
	_ =	sdelay $0x3  }
0x36: {  	p1 =	seq.s32 s10, $0x1;
	s10 =	sld [smem:$0x3FA2];
	_ =	sdelay $0x3  }
0x37: {  	[smem:$0x3FA2] =	sst s10  }
0x38: {  	s10 =	sld [smem:$0x3FA3]  }
0x39: {  	_ = 	snop;
	(pc) =	sbr.ind lr, $3  }
0x3a: {  	_ = 	snop  }
0x3b: {  	_ = 	snop  }
0x3c: {  	p2 =	seq.s32 s10, $0x1;
	s10 =	sld [smem:$0x3FA2]  }
0x3d: {  	_ =	shalt  }
0x3e: {  	_ =	shalt  }
0x3f: {  	_ =	shalt  }
0x40: {  	_ =	shalt  }
0x41: {  	_ =	shalt  }
0x42: {  	_ =	shalt  }
0x43: {  	_ =	shalt  }
0x44: {  	_ =	shalt  }
0x45: {  	_ =	shalt  }
0x46: {  	_ =	shalt  }
0x47: {  	_ =	shalt  }
0x48: {  	_ =	shalt  }
0x49: {  	_ =	shalt  }
0x4a: {  	_ =	shalt  }
0x4b: {  	_ =	shalt  }
0x4c: {  	_ =	shalt  }
0x4d: {  	_ =	shalt  }
0x4e: {  	_ =	shalt  }
0x4f: {  	_ =	shalt  }
0x50: {  	_ =	shalt  }
0x51: {  	_ =	shalt  }
0x52: {  	_ =	shalt  }
0x53: {  	_ =	shalt  }
0x54: {  	_ =	shalt  }
0x55: {  	_ =	shalt  }
0x56: {  	_ =	shalt  }
0x57: {  	_ =	shalt  }
0x58: {  	_ =	shalt  }
0x59: {  	_ =	shalt  }
0x5a: {  	_ =	shalt  }
0x5b: {  	_ =	shalt  }
0x5c: {  	_ =	shalt  }
0x5d: {  	_ =	shalt  }
0x5e: {  	_ =	shalt  }
0x5f: {  	_ =	shalt  }
0x60: {  	_ =	shalt  }
0x61: {  	_ =	shalt  }
0x62: {  	_ =	shalt  }
0x63: {  	_ =	shalt  }
0x64: {  	_ =	shalt  }
0x65: {  	_ =	shalt  }
0x66: {  	_ =	shalt  }
0x67: {  	_ =	shalt  }
0x68: {  	_ =	shalt  }
0x69: {  	_ =	shalt  }
0x6a: {  	_ =	shalt  }
0x6b: {  	_ =	shalt  }
0x6c: {  	_ =	shalt  }
0x6d: {  	_ =	shalt  }
0x6e: {  	_ =	shalt  }
0x6f: {  	_ =	shalt  }
0x70: {  	_ =	shalt  }
0x71: {  	_ =	shalt  }
0x72: {  	_ =	shalt  }
0x73: {  	_ =	shalt  }
0x74: {  	_ =	shalt  }
0x75: {  	_ =	shalt  }
0x76: {  	_ =	shalt  }
0x77: {  	_ =	shalt  }
0x78: {  	_ =	shalt  }
0x79: {  	_ =	shalt  }
0x7a: {  	_ =	shalt  }
0x7b: {  	_ =	shalt  }
0x7c: {  	_ =	shalt  }
0x7d: {  	_ =	shalt  }
0x7e: {  	_ =	shalt  }
0x7f: {  	_ =	shalt  }
0x80: {  	_ =	shalt  }
0x81: {  	_ =	shalt  }
0x82: {  	_ =	shalt  }
0x83: {  	_ =	shalt  }
0x84: {  	_ =	shalt  }
0x85: {  	_ =	shalt  }
0x86: {  	_ =	shalt  }
0x87: {  	_ =	shalt  }
.Lfunc_end0:
.L_simem_size_0:
called_computation.2_lowered:
.L_overlay_start_0:
0x88: {  	s2 =	sld [smem:$0x3FD9]  }
0x89: {  	s3 =	sld [smem:$0x3FFE];
	_ =	sdelay $0x1  }
0x8a: {  	s1 =	srdreg.scid  }
0x8b: {  	s0 =	sand.u32 $0x1, s1  }
0x8c: {  	s16 =	sshll.u32 s0, $0xA;
	s2 =	sadd.s32 s3, s2  }
0x8d: {  	s2 =	sadd.s32 s2, s16  }
0x8e: {  	[smem:$0x3FAE] =	sst s2  }
0x8f: {  	_ = 	snop  }
0x90: {  	(tm) =	ssettm $0x1  }
0x91: {  	s17 =	sld [smem:$0x3FFB];
	_ =	sdelay $0x3  }
0x92: {  	_ =	strace s17  }
0x93: {  	s2 =	sld [smem:$0x3FFC];
	_ =	sdelay $0x3  }
0x94: {  	_ =	strace s2  }
0x95: {  	s2 =	sld [smem:$0x3FFD];
	_ =	sdelay $0x3  }
0x96: {  	_ =	strace s2  }
0x97: {  	_ =	strace $0x8FFFFFFF  }
0x98: {  	s18 =	sld [smem:$0x3FDB];
	_ =	sdelay $0x1  }
0x99: {  	s19 =	simm.s32 $_scs_section_size  }
0x9a: {  	s4 =	simm.s32 $_size__tile_overlayer_lowered;
	s5 =	simm.s32 $_tile_overlayer_lowered  }
0x9b: {  	s22 =	simm.s32 $0x1BFF;
	s21 =	sshll.u32 s5, $0x1;
	s2 =	sadd.s32 s19, s18  }
0x9c: {  	s6 =	simm.s32 $0x0;
	s20 =	sshll.u32 s4, $0x1;
	s4 =	sadd.s32 s21, s2  }
0x9d: {  	[timem:s6], [sflag:s22] =	dma.local [hbm:s4], s20  }
0x9e: {  	_ =	swait.ge [sflag:s22], s20  }
0x9f: {  	s3 =	ssub.s32 $0x0, s20;
	[sflag:s22] =	ssyncset.done $0x0  }
0xa0: {  	[sflag:s22] =	ssyncadd.s32 s3;
	_ =	sdelay $0x1  }
0xa1: {  	s23 =	simm.s32 $0x1B8B  }
0xa2: {  	_ =	swait.ge [sflag:s23], $0x1  }
0xa3: {  	[sflag:s23] =	ssyncset.done $0x0  }
0xa4: {  	s25 =	simm.s32 $0x1B8E;
	s24 =	sld [smem:$0x3FFE];
	[sflag:s23] =	ssyncadd.s32 $0xFFFFFFFF  }
0xa5: {  	s26 =	simm.s32 $execute0_lowered;
	[smem:$0x3FD2] =	sst s25  }
0xa6: {  	s4 =	sshll.u32 s26, $0x1;
	_ =	strace $0x8000004C;
	[dreg:$0x1] =	wrdreg $0xFFFFFFFF  }
0xa7: {  	s28 =	simm.s32 $_size_execute0_lowered;
	s2 =	sadd.s32 s2, s4;
	[dreg:$0x0] =	wrdreg $0x0  }
0xa8: {  	s4 =	sshll.u32 s28, $0x1;
	[dreg:$0x2] =	wrdreg s2  }
0xa9: {  	[dreg:$0x3] =	wrdreg s4  }
0xaa: {  	[dreg:$0x4] =	wrdreg $0xC0  }
0xab: {  	_ =	task [dreg:s6], $0x5FFFF  }
0xac: {  	[dreg:$0x1] =	wrdreg $0xFFFFFFFF  }
0xad: {  	[dreg:$0x0] =	wrdreg $0x60  }
0xae: {  	[dreg:$0x2] =	wrdreg s24  }
0xaf: {  	[dreg:$0x3] =	wrdreg $0x90000  }
0xb0: {  	[dreg:$0x4] =	wrdreg $0x9  }
0xb1: {  	_ =	task.clear_ibuf [dreg:s6], $0x5FFFF;
	_ =	strace $0x9000004C  }
0xb2: {  	s29 =	simm.s32 $0x9;
	_ =	strace $0x8000004E  }
0xb3: {  	_ =	swait.ge [sflag:s29], $0x1  }
0xb4: {  	[sflag:s29] =	ssyncadd.s32 $0xFFFFFFFF  }
0xb5: {  	_ =	strace $0x9000004E  }
0xb6: {  	_ =	sfence  }
0xb7: {  	s30 =	sld [smem:$0x0];
	_ =	sdelay $0x2  }
0xb8: {  	s31 =	sshll.u32 s1, $0xD;
	s1 =	sshrl.u32 s1, $0x2  }
0xb9: {  	s3 =	sand.u32 $0x4000, s31;
	s1 =	sadd.s32 s1, s30  }
0xba: {  	s0 =	sor.u32 s3, s0;
	s1 =	sshll.u32 s1, $0x11  }
0xbb: {  	s0 =	sor.u32 s1, s0  }
0xbc: {  	s0 =	sadd.s32 $0x8F2B, s0  }
0xbd: {  	[sflag:s0] =	ssyncadd.remote.s32 $0x1  }
0xbe: {  	_ =	sfence.sel $0xFFFF  }
0xbf: {  	[dreg:$0x0] =	wrdreg $0xFFFFFFFF;
	(pc) =	sbr.abs _section_cstart, $3  }
0xc0: {  	[dreg:$0x1] =	wrdreg $0xFFFFFFFF  }
0xc1: {  	_ =	task.clear_ibuf [dreg:s6], $0x2FFFF;
	_ =	strace $0x9FFFFFFF  }
0xc2: {  	(tm) =	ssettm $0x7FFFFFFF  }
0xc3: {  	_ =	shalt  }
tec
execute0_lowered:
.L_overlay_start_1:
0x0: {  	(tag) =	ssettag $0x1  }
0x1: {  	s0 =	srdreg.scid;
	s6 =	rddreg [dreg:$0x0]  }
0x2: {  	s2 =	rddreg [dreg:$0x1];
	s5 =	sand.u32 $0x1, s0  }
0x3: {  	s0 =	stileid.u32;
	s4 =	smul.u32 $0x28000, s5  }
0x4: {  	s1 =	rddreg [dreg:$0x2];
	s3 =	simm.s32 $0x0;
	s7 =	smul.u32 $0x2800, s0  }
0x5: {  	s14 =	simm.s32 $0x80;
	s15 =	simm.s32 $0x5000;
	s8 =	smul.u32 $0x140000, s5  }
0x6: {  	s16 =	simm.s32 $0x0;
	[smem:$0x7FF] =	sst s3;
	s26 =	smul.u32 $0x14000, s0  }
0x7: {  	_ =	strace $0x8000004D;
	s28 =	ssub.s32 $0x2, s5;
	s10 =	smul.u32 $0x50000, s0  }
0x8: {  	s5 =	sadd.s32 $0x7800, s6;
	s31 =	sshll.u32 s0, $0x6;
	s29 =	sshrl.u32 s28, $0x1  }
0x9: {  	s4 =	sadd.s32 s7, s4;
	s7 =	sadd.s32 s26, s8;
	s12 =	ssub.s32 s28, s29  }
0xa: {  	s30 =	sshrl.u32 s10, $0x2;
	s9 =	sshrl.u32 s4, $0x3;
	s4 =	sadd.s32 $0x2FC00, s6  }
0xb: {  	s7 =	sshrl.u32 s7, $0x3;
	s13 =	sadd.s32 s30, s2;
	s10 =	smax.u32 s12, $0x1  }
0xc: {  	s12 =	simm.s32 $0x1;
	s9 =	sadd.s32 s9, s6;
	s11 =	sadd.s32 s7, s6  }
0xd: {  	s6 =	sor.u32 $0x1C01, s31;
	s7 =	sadd.s32 $0x25C00, s9;
	s8 =	sadd.s32 $0x1BC00, s9  }
0xe: {  	s9 =	sadd.s32 $0x57C00, s11;
	s11 =	sshrl.u32 s13, $0x3;
	s13 =	simm.s32 $0x2800  }
.LBB2_1:
0xf: {  	[spmem:s11], [sflag:s6] =	dma.local [hbm:s5], $0x2800  }
0x10: {  	_ =	swait.ge [sflag:s12], $0x2800  }
0x11: {  	[sflag:s12] =	ssyncset.done $0x0  }
0x12: {  	[sflag:s12] =	ssyncadd.s32 $0xFFFFD800  }
0x13: {  	[tilespmem:s3], [sflag:$0x1] =	stream.linear.gather [hbm4b:s7+s3], $0x2780, $0x38;
	[tilespmem:$0x1D000] =	vst v63  }
0x14: {  	_ =	swait.ge [sflag:s12], $0x2780  }
0x15: {  	[sflag:s12] =	ssyncset.done $0x0  }
0x16: {  	[sflag:s12] =	ssyncadd.s32 $0xFFFFD880  }
0x17: {  	[tilespmem:s13], [sflag:$0x1] =	stream.linear.gather [hbm4b:s8+s3], $0x2780, $0x38;
	[tilespmem:$0x1D000] =	vst v63  }
0x18: {  	_ =	swait.ge [sflag:s12], $0x2780  }
0x19: {  	[sflag:s12] =	ssyncset.done $0x0  }
0x1a: {  	[sflag:s12] =	ssyncadd.s32 $0xFFFFD880  }
0x1b: {  	s17 =	simm.s32 $0x0;
	[bflag:$0x0] =	sbarrier.arrive $0xFFFF  }
0x1c: {  	[tilespmem:s15], [sflag:$0x1] =	stream.indirect.gather [hbm4b:s4+s14], $0x80, s17, s14, $0xb8;
	[tilespmem:$0x1D000] =	vst v63  }
0x1d: {  	_ =	swait.ge [sflag:s12], $0x4000  }
0x1e: {  	[sflag:s12] =	ssyncset.done $0x0  }
0x1f: {  	s31 =	simm.s32 $0x2800;
	[sflag:s12] =	ssyncadd.s32 $0xFFFFC000  }
0x20: {  	[spmem:s2] =	stream.indirect.scatter.add.f32 [tilespmem:s15], [sflag:$0x1], $0x80, s31, s14, $0xb8;
	[tilespmem:$0x1D000] =	vst v63  }
0x21: {  	_ =	swait.ge [sflag:s12], $0x4000  }
0x22: {  	s18 =	simm.s32 $0x400;
	s17 =	simm.s32 $0x200;
	[sflag:s12] =	ssyncset.done $0x0  }
.LBB2_2:
0x23: {  	s19 =	sshra.s32 s17, $0x2  }
0x24: {  	[sflag:s12] =	ssyncadd.s32 $0xFFFFC000;
	s17 =	smov.u32 s18;
	s20 =	sadd.s32 $0x200, s18  }
0x25: {  	[tilespmem:s15], [sflag:$0x1] =	stream.indirect.gather [hbm4b:s4+s14], $0x80, s19, s14, $0xb8;
	[tilespmem:$0x1D000] =	vst v63  }
0x26: {  	p0 =	sne.s32 s18, $0x9C00;
	_ =	swait.ge [sflag:s12], $0x4000  }
.Ltmp0:
0x27: {  	[sflag:s12] =	ssyncset.done $0x0;
	(pc) =	sbr.rel @p0 .LBB2_2-.Ltmp0, $4  }
0x28: {  	s18 =	sadd.s32 $0x2800, s19;
	[sflag:s12] =	ssyncadd.s32 $0xFFFFC000  }
0x29: {  	[spmem:s2] =	stream.indirect.scatter.add.f32 [tilespmem:s15], [sflag:$0x1], $0x80, s18, s14, $0xb8;
	[tilespmem:$0x1D000] =	vst v63  }
0x2a: {  	_ =	swait.ge [sflag:s12], $0x4000  }
0x2b: {  	s18 =	smov.u32 s20;
	[sflag:s12] =	ssyncset.done $0x0  }
0x2c: {  	s17 =	sshra.s32 s17, $0x2;
	[sflag:s12] =	ssyncadd.s32 $0xFFFFC000  }
0x2d: {  	[tilespmem:s15], [sflag:$0x1] =	stream.indirect.gather [hbm4b:s4+s14], $0x80, s17, s14, $0xb8;
	[tilespmem:$0x1D000] =	vst v63  }
0x2e: {  	_ =	swait.ge [sflag:s12], $0x4000  }
0x2f: {  	[sflag:s12] =	ssyncset.done $0x0  }
0x30: {  	s17 =	sadd.s32 $0x2800, s17;
	[sflag:s12] =	ssyncadd.s32 $0xFFFFC000  }
0x31: {  	[spmem:s2] =	stream.indirect.scatter.add.f32 [tilespmem:s15], [sflag:$0x1], $0x80, s17, s14, $0xb8;
	[tilespmem:$0x1D000] =	vst v63  }
0x32: {  	_ =	swait.ge [sflag:s12], $0x4000  }
0x33: {  	s16 =	sadd.s32 $0x1, s16;
	[sflag:s12] =	ssyncset.done $0x0  }
0x34: {  	p0 =	sne.s32 s16, s10;
	[sflag:s12] =	ssyncadd.s32 $0xFFFFC000  }
.Ltmp1:
0x35: {  	[bflag:$0x0] =	sbarrier.arrive $0xFFFF;
	(pc) =	sbr.rel @p0 .LBB2_1-.Ltmp1, $4  }
0x36: {  	[hbm:s9], [sflag:s6] =	dma.local [spmem:s11], $0x2800  }
0x37: {  	_ =	swait.ge [sflag:s12], $0x2800  }
0x38: {  	[sflag:s12] =	ssyncset.done $0x0  }
0x39: {  	[sflag:s12] =	ssyncadd.s32 $0xFFFFD800  }
0x3a: {  	_ =	sfence.sel $0x180000  }
0x3b: {  	[bflag:$0x0] =	sbarrier.arrive $0xFFFF  }
0x3c: {  	p0 =	sne.s32 s0, $0x0;
	_ =	strace $0x9000004D  }
0x3d: {  	s0 =	sadd.s32 @!p0 $0x100000, s1;
	[bflag:$0x2] =	sbarrier.arrive $0xFFFF  }
0x3e: {  	[sflag:s0] =	ssyncadd.tile.s32 @!p0 $0x1;
	_ =	shalt  }
.Lfunc_end2:
_tile_overlayer_lowered:
.L_overlay_start_2:
0x3f: {  	(tag) =	ssettag $0x2  }
0x40: {  	s0 =	rddreg [dreg:$0x0];
	s2 =	stileid.u32  }
0x41: {  	s1 =	rddreg [dreg:$0x1];
	p0 =	sne.s32 s2, $0x0  }
0x42: {  	s3 =	rddreg [dreg:$0x2];
	[bflag:$0x3] =	sbarrier.arrive $0xFFFF;
	s2 =	simm.s32 @!p0 $0x1C01  }
0x43: {  	[timem:s3], [sflag:s2] =	dma.local @!p0 [hbm:s0], s1  }
0x44: {  	s0 =	simm.s32 @!p0 $0x1  }
0x45: {  	_ =	swait.ge @!p0 [sflag:s0], s1  }
0x46: {  	s1 =	ssub.s32 @!p0 $0x0, s1;
	[sflag:s0] =	ssyncset.done @!p0 $0x0  }
0x47: {  	[sflag:s0] =	ssyncadd.s32 @!p0 s1  }
0x48: {  	[bflag:$0x3] =	sbarrier.arrive $0xFFFF  }
0x49: {  	_ =	shalt  }

// kernel: kernel.21.cloned.1.call-start
scs
__scs_entry_jumppad:
0x0: {  	(pc) =	sbr.rel $0x88, $3  }
0x1: {  	(tag) =	ssettag $0x0;
	lr =	simm.s32 $0x1  }
0x2: {  	[smem:$0x3F87] =	sst lr;
	_ =	strace $0xD0000000  }
0x3: {  	_ = 	snop  }
0x4: {  	_ = 	snop  }
0x5: {  	_ = 	snop  }
0x6: {  	_ = 	snop  }
0x7: {  	_ = 	snop  }
__scs_overlays_trampoline_lowered:
0x8: {  	[smem:$0x3F96] =	sst s0  }
0x9: {  	[smem:$0x3F97] =	sst s1  }
0xa: {  	[smem:$0x3F98] =	sst s2  }
0xb: {  	[smem:$0x3F99] =	sst s3  }
0xc: {  	[smem:$0x3F9A] =	sst s4  }
0xd: {  	[smem:$0x3F9B] =	sst s5  }
0xe: {  	[smem:$0x3F9C] =	sst s6  }
0xf: {  	[smem:$0x3F9D] =	sst s7  }
0x10: {  	[smem:$0x3F9E] =	sst s8  }
0x11: {  	[smem:$0x3F9F] =	sst s9;
	s0 =	simm.s32 @!p0 $0x0  }
0x12: {  	s1 =	sld [smem:$0x3F85];
	s0 =	simm.s32 @p0 $0x1  }
0x13: {  	[smem:$0x3FA0] =	sst s0;
	s0 =	simm.s32 @!p1 $0x0  }
0x14: {  	s2 =	sld [smem:$0x3F84];
	s0 =	simm.s32 @p1 $0x1  }
0x15: {  	[smem:$0x3FA1] =	sst s0;
	s0 =	simm.s32 @!p2 $0x0  }
0x16: {  	s3 =	sld [smem:$0x3FDB];
	s0 =	simm.s32 @p2 $0x1  }
0x17: {  	s4 =	simm.s32 $0x1BF5;
	[smem:$0x3FA3] =	sst s0  }
0x18: {  	s0 =	sld [smem:$0x3F86];
	_ =	swait.ge [sflag:s4], $0x0  }
0x19: {  	s7 =	sld [smem:$0x3F87]  }
0x1a: {  	s8 =	sadd.s32 $0xFFFFE003, lr  }
0x1b: {  	s9 =	sadd.s32 $0xFFFFFEF7, lr;
	s5 =	simm.s32 $0xFFFFFFFF;
	p2 =	slt.u32 s8, $0xFFFFF086  }
0x1c: {  	p1 =	slt.u32 s9, $0xF7A;
	s5 =	simm.s32 @!p2 $0x0  }
0x1d: {  	s5 =	simm.s32 @p1 $0x1;
	p0 =	seq.s32 s7, s2  }
0x1e: {  	s7 =	smul.u32 @!p0 $0xF7A, s2;
	p2 =	seq.s32 @!p0 s5, $0x0  }
0x1f: {  	s9 =	smul.u32 $0xF7A, s1;
	s8 =	simm.s32 @!p0 $0x1BF5;
	p2 =	por !p2, p0  }
0x20: {  	[sflag:s8] =	ssyncset.s32 @!p0 $0xFFFFF086;
	s6 =	sadd.s32 @!p0 s3, s7;
	s7 =	simm.s32 @!p0 $0x108  }
0x21: {  	s3 =	sadd.s32 s3, s9;
	s6 =	sadd.s32 @!p0 $0x88, s6;
	s7 =	simm.s32 @p2 $0x1082  }
0x22: {  	[simem:s7], [sflag:s8] =	dma.local @!p0 [hbm:s6], $0xF7A  }
0x23: {  	s9 =	sor.u32 $0xD0000000, s2;
	s6 =	simm.s32 $0x108;
	_ =	swait.ge @!p0 [sflag:s8], $0x0  }
0x24: {  	s3 =	sadd.s32 $0x88, s3;
	s6 =	simm.s32 @!p1 $0x1082;
	[sflag:s4] =	ssyncset.s32 $0xFFFFF086  }
0x25: {  	[simem:s6], [sflag:s4] =	dma.local [hbm:s3], $0xF7A  }
0x26: {  	[smem:$0x3F87] =	sst s1;
	(tag) =	ssettag s2;
	_ =	strace s9  }
0x27: {  	s1 =	sld [smem:$0x3F97]  }
0x28: {  	s2 =	sld [smem:$0x3F98]  }
0x29: {  	s4 =	sld [smem:$0x3F9A]  }
0x2a: {  	p0 =	seq.s32 s5, $0x0;
	s5 =	sld [smem:$0x3F9B]  }
0x2b: {  	s6 =	sld [smem:$0x3F9C]  }
0x2c: {  	s7 =	sld [smem:$0x3F9D]  }
0x2d: {  	s3 =	simm.s32 $0x108;
	s8 =	sld [smem:$0x3F9E]  }
0x2e: {  	s3 =	simm.s32 @!p0 $0x1082;
	s9 =	sld [smem:$0x3F9F]  }
0x2f: {  	lr =	sadd.s32 s0, s3;
	s0 =	sld [smem:$0x3F96]  }
0x30: {  	s3 =	sld [smem:$0x3F99]  }
0x31: {  	[smem:$0x3FA2] =	sst s10  }
0x32: {  	s10 =	sld [smem:$0x3FA0];
	_ =	sdelay $0x3  }
0x33: {  	p0 =	seq.s32 s10, $0x1;
	s10 =	sld [smem:$0x3FA2];
	_ =	sdelay $0x3  }
0x34: {  	[smem:$0x3FA2] =	sst s10  }
0x35: {  	s10 =	sld [smem:$0x3FA1];
	_ =	sdelay $0x3  }
0x36: {  	p1 =	seq.s32 s10, $0x1;
	s10 =	sld [smem:$0x3FA2];
	_ =	sdelay $0x3  }
0x37: {  	[smem:$0x3FA2] =	sst s10  }
0x38: {  	s10 =	sld [smem:$0x3FA3]  }
0x39: {  	_ = 	snop;
	(pc) =	sbr.ind lr, $3  }
0x3a: {  	_ = 	snop  }
0x3b: {  	_ = 	snop  }
0x3c: {  	p2 =	seq.s32 s10, $0x1;
	s10 =	sld [smem:$0x3FA2]  }
0x3d: {  	_ =	shalt  }
0x3e: {  	_ =	shalt  }
0x3f: {  	_ =	shalt  }
0x40: {  	_ =	shalt  }
0x41: {  	_ =	shalt  }
0x42: {  	_ =	shalt  }
0x43: {  	_ =	shalt  }
0x44: {  	_ =	shalt  }
0x45: {  	_ =	shalt  }
0x46: {  	_ =	shalt  }
0x47: {  	_ =	shalt  }
0x48: {  	_ =	shalt  }
0x49: {  	_ =	shalt  }
0x4a: {  	_ =	shalt  }
0x4b: {  	_ =	shalt  }
0x4c: {  	_ =	shalt  }
0x4d: {  	_ =	shalt  }
0x4e: {  	_ =	shalt  }
0x4f: {  	_ =	shalt  }
0x50: {  	_ =	shalt  }
0x51: {  	_ =	shalt  }
0x52: {  	_ =	shalt  }
0x53: {  	_ =	shalt  }
0x54: {  	_ =	shalt  }
0x55: {  	_ =	shalt  }
0x56: {  	_ =	shalt  }
0x57: {  	_ =	shalt  }
0x58: {  	_ =	shalt  }
0x59: {  	_ =	shalt  }
0x5a: {  	_ =	shalt  }
0x5b: {  	_ =	shalt  }
0x5c: {  	_ =	shalt  }
0x5d: {  	_ =	shalt  }
0x5e: {  	_ =	shalt  }
0x5f: {  	_ =	shalt  }
0x60: {  	_ =	shalt  }
0x61: {  	_ =	shalt  }
0x62: {  	_ =	shalt  }
0x63: {  	_ =	shalt  }
0x64: {  	_ =	shalt  }
0x65: {  	_ =	shalt  }
0x66: {  	_ =	shalt  }
0x67: {  	_ =	shalt  }
0x68: {  	_ =	shalt  }
0x69: {  	_ =	shalt  }
0x6a: {  	_ =	shalt  }
0x6b: {  	_ =	shalt  }
0x6c: {  	_ =	shalt  }
0x6d: {  	_ =	shalt  }
0x6e: {  	_ =	shalt  }
0x6f: {  	_ =	shalt  }
0x70: {  	_ =	shalt  }
0x71: {  	_ =	shalt  }
0x72: {  	_ =	shalt  }
0x73: {  	_ =	shalt  }
0x74: {  	_ =	shalt  }
0x75: {  	_ =	shalt  }
0x76: {  	_ =	shalt  }
0x77: {  	_ =	shalt  }
0x78: {  	_ =	shalt  }
0x79: {  	_ =	shalt  }
0x7a: {  	_ =	shalt  }
0x7b: {  	_ =	shalt  }
0x7c: {  	_ =	shalt  }
0x7d: {  	_ =	shalt  }
0x7e: {  	_ =	shalt  }
0x7f: {  	_ =	shalt  }
0x80: {  	_ =	shalt  }
0x81: {  	_ =	shalt  }
0x82: {  	_ =	shalt  }
0x83: {  	_ =	shalt  }
0x84: {  	_ =	shalt  }
0x85: {  	_ =	shalt  }
0x86: {  	_ =	shalt  }
0x87: {  	_ =	shalt  }
.Lfunc_end0:
.L_simem_size_0:
called_computation.3_lowered:
.L_overlay_start_0:
0x88: {  	s2 =	sld [smem:$0x3FD9]  }
0x89: {  	s3 =	sld [smem:$0x3FFE];
	_ =	sdelay $0x1  }
0x8a: {  	s1 =	srdreg.scid  }
0x8b: {  	s0 =	sand.u32 $0x1, s1  }
0x8c: {  	s16 =	sshll.u32 s0, $0xA;
	s2 =	sadd.s32 s3, s2  }
0x8d: {  	s2 =	sadd.s32 s2, s16  }
0x8e: {  	[smem:$0x3FAE] =	sst s2  }
0x8f: {  	_ = 	snop  }
0x90: {  	(tm) =	ssettm $0x1  }
0x91: {  	s17 =	sld [smem:$0x3FFB];
	_ =	sdelay $0x3  }
0x92: {  	_ =	strace s17  }
0x93: {  	s2 =	sld [smem:$0x3FFC];
	_ =	sdelay $0x3  }
0x94: {  	_ =	strace s2  }
0x95: {  	s2 =	sld [smem:$0x3FFD];
	_ =	sdelay $0x3  }
0x96: {  	_ =	strace s2  }
0x97: {  	_ =	strace $0x8FFFFFFF  }
0x98: {  	s18 =	sld [smem:$0x3FDB];
	_ =	sdelay $0x1  }
0x99: {  	s19 =	simm.s32 $_scs_section_size  }
0x9a: {  	s4 =	simm.s32 $_size__tile_overlayer_lowered;
	s5 =	simm.s32 $_tile_overlayer_lowered  }
0x9b: {  	s22 =	simm.s32 $0x1BFF;
	s21 =	sshll.u32 s5, $0x1;
	s2 =	sadd.s32 s19, s18  }
0x9c: {  	s6 =	simm.s32 $0x0;
	s20 =	sshll.u32 s4, $0x1;
	s4 =	sadd.s32 s21, s2  }
0x9d: {  	[timem:s6], [sflag:s22] =	dma.local [hbm:s4], s20  }
0x9e: {  	_ =	swait.ge [sflag:s22], s20  }
0x9f: {  	s3 =	ssub.s32 $0x0, s20;
	[sflag:s22] =	ssyncset.done $0x0  }
0xa0: {  	[sflag:s22] =	ssyncadd.s32 s3;
	_ =	sdelay $0x1  }
0xa1: {  	s23 =	simm.s32 $0x1B8B  }
0xa2: {  	_ =	swait.ge [sflag:s23], $0x1  }
0xa3: {  	[sflag:s23] =	ssyncset.done $0x0  }
0xa4: {  	s25 =	simm.s32 $0x1B8E;
	s24 =	sld [smem:$0x3FFE];
	[sflag:s23] =	ssyncadd.s32 $0xFFFFFFFF  }
0xa5: {  	s26 =	simm.s32 $execute0_lowered;
	[smem:$0x3FD2] =	sst s25  }
0xa6: {  	s4 =	sshll.u32 s26, $0x1;
	_ =	strace $0x8000004F;
	[dreg:$0x1] =	wrdreg $0xFFFFFFFF  }
0xa7: {  	s28 =	simm.s32 $_size_execute0_lowered;
	s2 =	sadd.s32 s2, s4;
	[dreg:$0x0] =	wrdreg $0x0  }
0xa8: {  	s4 =	sshll.u32 s28, $0x1;
	[dreg:$0x2] =	wrdreg s2  }
0xa9: {  	[dreg:$0x3] =	wrdreg s4  }
0xaa: {  	[dreg:$0x4] =	wrdreg $0xC0  }
0xab: {  	_ =	task [dreg:s6], $0x5FFFF  }
0xac: {  	[dreg:$0x1] =	wrdreg $0xFFFFFFFF  }
0xad: {  	[dreg:$0x0] =	wrdreg $0x60  }
0xae: {  	[dreg:$0x2] =	wrdreg s24  }
0xaf: {  	[dreg:$0x3] =	wrdreg $0x90000  }
0xb0: {  	[dreg:$0x4] =	wrdreg $0x9  }
0xb1: {  	_ =	task.clear_ibuf [dreg:s6], $0x5FFFF;
	_ =	strace $0x9000004F  }
0xb2: {  	s29 =	simm.s32 $0x9;
	_ =	strace $0x80000051  }
0xb3: {  	_ =	swait.ge [sflag:s29], $0x1  }
0xb4: {  	[sflag:s29] =	ssyncadd.s32 $0xFFFFFFFF  }
0xb5: {  	_ =	strace $0x90000051  }
0xb6: {  	_ =	sfence  }
0xb7: {  	s30 =	sld [smem:$0x0];
	_ =	sdelay $0x2  }
0xb8: {  	s31 =	sshll.u32 s1, $0xD;
	s1 =	sshrl.u32 s1, $0x2  }
0xb9: {  	s3 =	sand.u32 $0x4000, s31;
	s1 =	sadd.s32 s1, s30  }
0xba: {  	s0 =	sor.u32 s3, s0;
	s1 =	sshll.u32 s1, $0x11  }
0xbb: {  	s0 =	sor.u32 s1, s0  }
0xbc: {  	s0 =	sadd.s32 $0x8F2B, s0  }
0xbd: {  	[sflag:s0] =	ssyncadd.remote.s32 $0x1  }
0xbe: {  	_ =	sfence.sel $0xFFFF  }
0xbf: {  	[dreg:$0x0] =	wrdreg $0xFFFFFFFF;
	(pc) =	sbr.abs _section_cstart, $3  }
0xc0: {  	[dreg:$0x1] =	wrdreg $0xFFFFFFFF  }
0xc1: {  	_ =	task.clear_ibuf [dreg:s6], $0x2FFFF;
	_ =	strace $0x9FFFFFFF  }
0xc2: {  	(tm) =	ssettm $0x7FFFFFFF  }
0xc3: {  	_ =	shalt  }
tec
execute0_lowered:
.L_overlay_start_1:
0x0: {  	(tag) =	ssettag $0x1  }
0x1: {  	s0 =	srdreg.scid;
	s6 =	rddreg [dreg:$0x0]  }
0x2: {  	s2 =	rddreg [dreg:$0x1];
	s5 =	sand.u32 $0x1, s0  }
0x3: {  	s0 =	stileid.u32;
	s4 =	smul.u32 $0x28000, s5  }
0x4: {  	s1 =	rddreg [dreg:$0x2];
	s3 =	simm.s32 $0x0;
	s7 =	smul.u32 $0x2800, s0  }
0x5: {  	s14 =	simm.s32 $0x80;
	s15 =	simm.s32 $0x5000;
	s8 =	smul.u32 $0x140000, s5  }
0x6: {  	s16 =	simm.s32 $0x0;
	[smem:$0x7FF] =	sst s3;
	s26 =	smul.u32 $0x14000, s0  }
0x7: {  	_ =	strace $0x80000050;
	s28 =	ssub.s32 $0x2, s5;
	s10 =	smul.u32 $0x50000, s0  }
0x8: {  	s5 =	sadd.s32 $0x7800, s6;
	s31 =	sshll.u32 s0, $0x6;
	s29 =	sshrl.u32 s28, $0x1  }
0x9: {  	s4 =	sadd.s32 s7, s4;
	s7 =	sadd.s32 s26, s8;
	s12 =	ssub.s32 s28, s29  }
0xa: {  	s30 =	sshrl.u32 s10, $0x2;
	s9 =	sshrl.u32 s4, $0x3;
	s4 =	sadd.s32 $0x2FC00, s6  }
0xb: {  	s7 =	sshrl.u32 s7, $0x3;
	s13 =	sadd.s32 s30, s2;
	s10 =	smax.u32 s12, $0x1  }
0xc: {  	s12 =	simm.s32 $0x1;
	s9 =	sadd.s32 s9, s6;
	s11 =	sadd.s32 s7, s6  }
0xd: {  	s6 =	sor.u32 $0x1C01, s31;
	s7 =	sadd.s32 $0x25C00, s9;
	s8 =	sadd.s32 $0x1BC00, s9  }
0xe: {  	s9 =	sadd.s32 $0x57C00, s11;
	s11 =	sshrl.u32 s13, $0x3;
	s13 =	simm.s32 $0x2800  }
.LBB2_1:
0xf: {  	[spmem:s11], [sflag:s6] =	dma.local [hbm:s5], $0x2800  }
0x10: {  	_ =	swait.ge [sflag:s12], $0x2800  }
0x11: {  	[sflag:s12] =	ssyncset.done $0x0  }
0x12: {  	[sflag:s12] =	ssyncadd.s32 $0xFFFFD800  }
0x13: {  	[tilespmem:s3], [sflag:$0x1] =	stream.linear.gather [hbm4b:s7+s3], $0x2780, $0x38;
	[tilespmem:$0x1D000] =	vst v63  }
0x14: {  	_ =	swait.ge [sflag:s12], $0x2780  }
0x15: {  	[sflag:s12] =	ssyncset.done $0x0  }
0x16: {  	[sflag:s12] =	ssyncadd.s32 $0xFFFFD880  }
0x17: {  	[tilespmem:s13], [sflag:$0x1] =	stream.linear.gather [hbm4b:s8+s3], $0x2780, $0x38;
	[tilespmem:$0x1D000] =	vst v63  }
0x18: {  	_ =	swait.ge [sflag:s12], $0x2780  }
0x19: {  	[sflag:s12] =	ssyncset.done $0x0  }
0x1a: {  	[sflag:s12] =	ssyncadd.s32 $0xFFFFD880  }
0x1b: {  	s17 =	simm.s32 $0x0;
	[bflag:$0x0] =	sbarrier.arrive $0xFFFF  }
0x1c: {  	[tilespmem:s15], [sflag:$0x1] =	stream.indirect.gather [hbm4b:s4+s14], $0x80, s17, s14, $0xb8;
	[tilespmem:$0x1D000] =	vst v63  }
0x1d: {  	_ =	swait.ge [sflag:s12], $0x4000  }
0x1e: {  	[sflag:s12] =	ssyncset.done $0x0  }
0x1f: {  	s31 =	simm.s32 $0x2800;
	[sflag:s12] =	ssyncadd.s32 $0xFFFFC000  }
0x20: {  	[spmem:s2] =	stream.indirect.scatter.add.f32 [tilespmem:s15], [sflag:$0x1], $0x80, s31, s14, $0xb8;
	[tilespmem:$0x1D000] =	vst v63  }
0x21: {  	_ =	swait.ge [sflag:s12], $0x4000  }
0x22: {  	s18 =	simm.s32 $0x400;
	s17 =	simm.s32 $0x200;
	[sflag:s12] =	ssyncset.done $0x0  }
.LBB2_2:
0x23: {  	s19 =	sshra.s32 s17, $0x2  }
0x24: {  	[sflag:s12] =	ssyncadd.s32 $0xFFFFC000;
	s17 =	smov.u32 s18;
	s20 =	sadd.s32 $0x200, s18  }
0x25: {  	[tilespmem:s15], [sflag:$0x1] =	stream.indirect.gather [hbm4b:s4+s14], $0x80, s19, s14, $0xb8;
	[tilespmem:$0x1D000] =	vst v63  }
0x26: {  	p0 =	sne.s32 s18, $0x9C00;
	_ =	swait.ge [sflag:s12], $0x4000  }
.Ltmp0:
0x27: {  	[sflag:s12] =	ssyncset.done $0x0;
	(pc) =	sbr.rel @p0 .LBB2_2-.Ltmp0, $4  }
0x28: {  	s18 =	sadd.s32 $0x2800, s19;
	[sflag:s12] =	ssyncadd.s32 $0xFFFFC000  }
0x29: {  	[spmem:s2] =	stream.indirect.scatter.add.f32 [tilespmem:s15], [sflag:$0x1], $0x80, s18, s14, $0xb8;
	[tilespmem:$0x1D000] =	vst v63  }
0x2a: {  	_ =	swait.ge [sflag:s12], $0x4000  }
0x2b: {  	s18 =	smov.u32 s20;
	[sflag:s12] =	ssyncset.done $0x0  }
0x2c: {  	s17 =	sshra.s32 s17, $0x2;
	[sflag:s12] =	ssyncadd.s32 $0xFFFFC000  }
0x2d: {  	[tilespmem:s15], [sflag:$0x1] =	stream.indirect.gather [hbm4b:s4+s14], $0x80, s17, s14, $0xb8;
	[tilespmem:$0x1D000] =	vst v63  }
0x2e: {  	_ =	swait.ge [sflag:s12], $0x4000  }
0x2f: {  	[sflag:s12] =	ssyncset.done $0x0  }
0x30: {  	s17 =	sadd.s32 $0x2800, s17;
	[sflag:s12] =	ssyncadd.s32 $0xFFFFC000  }
0x31: {  	[spmem:s2] =	stream.indirect.scatter.add.f32 [tilespmem:s15], [sflag:$0x1], $0x80, s17, s14, $0xb8;
	[tilespmem:$0x1D000] =	vst v63  }
0x32: {  	_ =	swait.ge [sflag:s12], $0x4000  }
0x33: {  	s16 =	sadd.s32 $0x1, s16;
	[sflag:s12] =	ssyncset.done $0x0  }
0x34: {  	p0 =	sne.s32 s16, s10;
	[sflag:s12] =	ssyncadd.s32 $0xFFFFC000  }
.Ltmp1:
0x35: {  	[bflag:$0x0] =	sbarrier.arrive $0xFFFF;
	(pc) =	sbr.rel @p0 .LBB2_1-.Ltmp1, $4  }
0x36: {  	[hbm:s9], [sflag:s6] =	dma.local [spmem:s11], $0x2800  }
0x37: {  	_ =	swait.ge [sflag:s12], $0x2800  }
0x38: {  	[sflag:s12] =	ssyncset.done $0x0  }
0x39: {  	[sflag:s12] =	ssyncadd.s32 $0xFFFFD800  }
0x3a: {  	_ =	sfence.sel $0x180000  }
0x3b: {  	[bflag:$0x0] =	sbarrier.arrive $0xFFFF  }
0x3c: {  	p0 =	sne.s32 s0, $0x0;
	_ =	strace $0x90000050  }
0x3d: {  	s0 =	sadd.s32 @!p0 $0x100000, s1;
	[bflag:$0x2] =	sbarrier.arrive $0xFFFF  }
0x3e: {  	[sflag:s0] =	ssyncadd.tile.s32 @!p0 $0x1;
	_ =	shalt  }
.Lfunc_end2:
_tile_overlayer_lowered:
.L_overlay_start_2:
0x3f: {  	(tag) =	ssettag $0x2  }
0x40: {  	s0 =	rddreg [dreg:$0x0];
	s2 =	stileid.u32  }
0x41: {  	s1 =	rddreg [dreg:$0x1];
	p0 =	sne.s32 s2, $0x0  }
0x42: {  	s3 =	rddreg [dreg:$0x2];
	[bflag:$0x3] =	sbarrier.arrive $0xFFFF;
	s2 =	simm.s32 @!p0 $0x1C01  }
0x43: {  	[timem:s3], [sflag:s2] =	dma.local @!p0 [hbm:s0], s1  }
0x44: {  	s0 =	simm.s32 @!p0 $0x1  }
0x45: {  	_ =	swait.ge @!p0 [sflag:s0], s1  }
0x46: {  	s1 =	ssub.s32 @!p0 $0x0, s1;
	[sflag:s0] =	ssyncset.done @!p0 $0x0  }
0x47: {  	[sflag:s0] =	ssyncadd.s32 @!p0 s1  }
0x48: {  	[bflag:$0x3] =	sbarrier.arrive $0xFFFF  }
0x49: {  	_ =	shalt  }

// kernel: kernel.24.cloned.1.call-start
scs
__scs_entry_jumppad:
0x0: {  	(pc) =	sbr.rel $0x88, $3  }
0x1: {  	(tag) =	ssettag $0x0;
	lr =	simm.s32 $0x1  }
0x2: {  	[smem:$0x3F87] =	sst lr;
	_ =	strace $0xD0000000  }
0x3: {  	_ = 	snop  }
0x4: {  	_ = 	snop  }
0x5: {  	_ = 	snop  }
0x6: {  	_ = 	snop  }
0x7: {  	_ = 	snop  }
__scs_overlays_trampoline_lowered:
0x8: {  	[smem:$0x3F96] =	sst s0  }
0x9: {  	[smem:$0x3F97] =	sst s1  }
0xa: {  	[smem:$0x3F98] =	sst s2  }
0xb: {  	[smem:$0x3F99] =	sst s3  }
0xc: {  	[smem:$0x3F9A] =	sst s4  }
0xd: {  	[smem:$0x3F9B] =	sst s5  }
0xe: {  	[smem:$0x3F9C] =	sst s6  }
0xf: {  	[smem:$0x3F9D] =	sst s7  }
0x10: {  	[smem:$0x3F9E] =	sst s8  }
0x11: {  	[smem:$0x3F9F] =	sst s9;
	s0 =	simm.s32 @!p0 $0x0  }
0x12: {  	s1 =	sld [smem:$0x3F85];
	s0 =	simm.s32 @p0 $0x1  }
0x13: {  	[smem:$0x3FA0] =	sst s0;
	s0 =	simm.s32 @!p1 $0x0  }
0x14: {  	s2 =	sld [smem:$0x3F84];
	s0 =	simm.s32 @p1 $0x1  }
0x15: {  	[smem:$0x3FA1] =	sst s0;
	s0 =	simm.s32 @!p2 $0x0  }
0x16: {  	s3 =	sld [smem:$0x3FDB];
	s0 =	simm.s32 @p2 $0x1  }
0x17: {  	s4 =	simm.s32 $0x1BF5;
	[smem:$0x3FA3] =	sst s0  }
0x18: {  	s0 =	sld [smem:$0x3F86];
	_ =	swait.ge [sflag:s4], $0x0  }
0x19: {  	s7 =	sld [smem:$0x3F87]  }
0x1a: {  	s8 =	sadd.s32 $0xFFFFE003, lr  }
0x1b: {  	s9 =	sadd.s32 $0xFFFFFEF7, lr;
	s5 =	simm.s32 $0xFFFFFFFF;
	p2 =	slt.u32 s8, $0xFFFFF086  }
0x1c: {  	p1 =	slt.u32 s9, $0xF7A;
	s5 =	simm.s32 @!p2 $0x0  }
0x1d: {  	s5 =	simm.s32 @p1 $0x1;
	p0 =	seq.s32 s7, s2  }
0x1e: {  	s7 =	smul.u32 @!p0 $0xF7A, s2;
	p2 =	seq.s32 @!p0 s5, $0x0  }
0x1f: {  	s9 =	smul.u32 $0xF7A, s1;
	s8 =	simm.s32 @!p0 $0x1BF5;
	p2 =	por !p2, p0  }
0x20: {  	[sflag:s8] =	ssyncset.s32 @!p0 $0xFFFFF086;
	s6 =	sadd.s32 @!p0 s3, s7;
	s7 =	simm.s32 @!p0 $0x108  }
0x21: {  	s3 =	sadd.s32 s3, s9;
	s6 =	sadd.s32 @!p0 $0x88, s6;
	s7 =	simm.s32 @p2 $0x1082  }
0x22: {  	[simem:s7], [sflag:s8] =	dma.local @!p0 [hbm:s6], $0xF7A  }
0x23: {  	s9 =	sor.u32 $0xD0000000, s2;
	s6 =	simm.s32 $0x108;
	_ =	swait.ge @!p0 [sflag:s8], $0x0  }
0x24: {  	s3 =	sadd.s32 $0x88, s3;
	s6 =	simm.s32 @!p1 $0x1082;
	[sflag:s4] =	ssyncset.s32 $0xFFFFF086  }
0x25: {  	[simem:s6], [sflag:s4] =	dma.local [hbm:s3], $0xF7A  }
0x26: {  	[smem:$0x3F87] =	sst s1;
	(tag) =	ssettag s2;
	_ =	strace s9  }
0x27: {  	s1 =	sld [smem:$0x3F97]  }
0x28: {  	s2 =	sld [smem:$0x3F98]  }
0x29: {  	s4 =	sld [smem:$0x3F9A]  }
0x2a: {  	p0 =	seq.s32 s5, $0x0;
	s5 =	sld [smem:$0x3F9B]  }
0x2b: {  	s6 =	sld [smem:$0x3F9C]  }
0x2c: {  	s7 =	sld [smem:$0x3F9D]  }
0x2d: {  	s3 =	simm.s32 $0x108;
	s8 =	sld [smem:$0x3F9E]  }
0x2e: {  	s3 =	simm.s32 @!p0 $0x1082;
	s9 =	sld [smem:$0x3F9F]  }
0x2f: {  	lr =	sadd.s32 s0, s3;
	s0 =	sld [smem:$0x3F96]  }
0x30: {  	s3 =	sld [smem:$0x3F99]  }
0x31: {  	[smem:$0x3FA2] =	sst s10  }
0x32: {  	s10 =	sld [smem:$0x3FA0];
	_ =	sdelay $0x3  }
0x33: {  	p0 =	seq.s32 s10, $0x1;
	s10 =	sld [smem:$0x3FA2];
	_ =	sdelay $0x3  }
0x34: {  	[smem:$0x3FA2] =	sst s10  }
0x35: {  	s10 =	sld [smem:$0x3FA1];
	_ =	sdelay $0x3  }
0x36: {  	p1 =	seq.s32 s10, $0x1;
	s10 =	sld [smem:$0x3FA2];
	_ =	sdelay $0x3  }
0x37: {  	[smem:$0x3FA2] =	sst s10  }
0x38: {  	s10 =	sld [smem:$0x3FA3]  }
0x39: {  	_ = 	snop;
	(pc) =	sbr.ind lr, $3  }
0x3a: {  	_ = 	snop  }
0x3b: {  	_ = 	snop  }
0x3c: {  	p2 =	seq.s32 s10, $0x1;
	s10 =	sld [smem:$0x3FA2]  }
0x3d: {  	_ =	shalt  }
0x3e: {  	_ =	shalt  }
0x3f: {  	_ =	shalt  }
0x40: {  	_ =	shalt  }
0x41: {  	_ =	shalt  }
0x42: {  	_ =	shalt  }
0x43: {  	_ =	shalt  }
0x44: {  	_ =	shalt  }
0x45: {  	_ =	shalt  }
0x46: {  	_ =	shalt  }
0x47: {  	_ =	shalt  }
0x48: {  	_ =	shalt  }
0x49: {  	_ =	shalt  }
0x4a: {  	_ =	shalt  }
0x4b: {  	_ =	shalt  }
0x4c: {  	_ =	shalt  }
0x4d: {  	_ =	shalt  }
0x4e: {  	_ =	shalt  }
0x4f: {  	_ =	shalt  }
0x50: {  	_ =	shalt  }
0x51: {  	_ =	shalt  }
0x52: {  	_ =	shalt  }
0x53: {  	_ =	shalt  }
0x54: {  	_ =	shalt  }
0x55: {  	_ =	shalt  }
0x56: {  	_ =	shalt  }
0x57: {  	_ =	shalt  }
0x58: {  	_ =	shalt  }
0x59: {  	_ =	shalt  }
0x5a: {  	_ =	shalt  }
0x5b: {  	_ =	shalt  }
0x5c: {  	_ =	shalt  }
0x5d: {  	_ =	shalt  }
0x5e: {  	_ =	shalt  }
0x5f: {  	_ =	shalt  }
0x60: {  	_ =	shalt  }
0x61: {  	_ =	shalt  }
0x62: {  	_ =	shalt  }
0x63: {  	_ =	shalt  }
0x64: {  	_ =	shalt  }
0x65: {  	_ =	shalt  }
0x66: {  	_ =	shalt  }
0x67: {  	_ =	shalt  }
0x68: {  	_ =	shalt  }
0x69: {  	_ =	shalt  }
0x6a: {  	_ =	shalt  }
0x6b: {  	_ =	shalt  }
0x6c: {  	_ =	shalt  }
0x6d: {  	_ =	shalt  }
0x6e: {  	_ =	shalt  }
0x6f: {  	_ =	shalt  }
0x70: {  	_ =	shalt  }
0x71: {  	_ =	shalt  }
0x72: {  	_ =	shalt  }
0x73: {  	_ =	shalt  }
0x74: {  	_ =	shalt  }
0x75: {  	_ =	shalt  }
0x76: {  	_ =	shalt  }
0x77: {  	_ =	shalt  }
0x78: {  	_ =	shalt  }
0x79: {  	_ =	shalt  }
0x7a: {  	_ =	shalt  }
0x7b: {  	_ =	shalt  }
0x7c: {  	_ =	shalt  }
0x7d: {  	_ =	shalt  }
0x7e: {  	_ =	shalt  }
0x7f: {  	_ =	shalt  }
0x80: {  	_ =	shalt  }
0x81: {  	_ =	shalt  }
0x82: {  	_ =	shalt  }
0x83: {  	_ =	shalt  }
0x84: {  	_ =	shalt  }
0x85: {  	_ =	shalt  }
0x86: {  	_ =	shalt  }
0x87: {  	_ =	shalt  }
.Lfunc_end0:
.L_simem_size_0:
called_computation.4_lowered:
.L_overlay_start_0:
0x88: {  	s2 =	sld [smem:$0x3FD9]  }
0x89: {  	s3 =	sld [smem:$0x3FFE];
	_ =	sdelay $0x1  }
0x8a: {  	s1 =	srdreg.scid  }
0x8b: {  	s0 =	sand.u32 $0x1, s1  }
0x8c: {  	s16 =	sshll.u32 s0, $0xA;
	s2 =	sadd.s32 s3, s2  }
0x8d: {  	s2 =	sadd.s32 s2, s16  }
0x8e: {  	[smem:$0x3FAE] =	sst s2  }
0x8f: {  	_ = 	snop  }
0x90: {  	(tm) =	ssettm $0x1  }
0x91: {  	s17 =	sld [smem:$0x3FFB];
	_ =	sdelay $0x3  }
0x92: {  	_ =	strace s17  }
0x93: {  	s2 =	sld [smem:$0x3FFC];
	_ =	sdelay $0x3  }
0x94: {  	_ =	strace s2  }
0x95: {  	s2 =	sld [smem:$0x3FFD];
	_ =	sdelay $0x3  }
0x96: {  	_ =	strace s2  }
0x97: {  	_ =	strace $0x8FFFFFFF  }
0x98: {  	s18 =	sld [smem:$0x3FDB];
	_ =	sdelay $0x1  }
0x99: {  	s19 =	simm.s32 $_scs_section_size  }
0x9a: {  	s4 =	simm.s32 $_size__tile_overlayer_lowered;
	s5 =	simm.s32 $_tile_overlayer_lowered  }
0x9b: {  	s22 =	simm.s32 $0x1BFF;
	s21 =	sshll.u32 s5, $0x1;
	s2 =	sadd.s32 s19, s18  }
0x9c: {  	s6 =	simm.s32 $0x0;
	s20 =	sshll.u32 s4, $0x1;
	s4 =	sadd.s32 s21, s2  }
0x9d: {  	[timem:s6], [sflag:s22] =	dma.local [hbm:s4], s20  }
0x9e: {  	_ =	swait.ge [sflag:s22], s20  }
0x9f: {  	s3 =	ssub.s32 $0x0, s20;
	[sflag:s22] =	ssyncset.done $0x0  }
0xa0: {  	[sflag:s22] =	ssyncadd.s32 s3;
	_ =	sdelay $0x1  }
0xa1: {  	s23 =	simm.s32 $0x1B8B  }
0xa2: {  	_ =	swait.ge [sflag:s23], $0x1  }
0xa3: {  	[sflag:s23] =	ssyncset.done $0x0  }
0xa4: {  	s25 =	simm.s32 $0x1B8E;
	s24 =	sld [smem:$0x3FFE];
	[sflag:s23] =	ssyncadd.s32 $0xFFFFFFFF  }
0xa5: {  	s26 =	simm.s32 $execute0_lowered;
	[smem:$0x3FD2] =	sst s25  }
0xa6: {  	s4 =	sshll.u32 s26, $0x1;
	_ =	strace $0x80000052;
	[dreg:$0x1] =	wrdreg $0xFFFFFFFF  }
0xa7: {  	s28 =	simm.s32 $_size_execute0_lowered;
	s2 =	sadd.s32 s2, s4;
	[dreg:$0x0] =	wrdreg $0x0  }
0xa8: {  	s4 =	sshll.u32 s28, $0x1;
	[dreg:$0x2] =	wrdreg s2  }
0xa9: {  	[dreg:$0x3] =	wrdreg s4  }
0xaa: {  	[dreg:$0x4] =	wrdreg $0xC0  }
0xab: {  	_ =	task [dreg:s6], $0x5FFFF  }
0xac: {  	[dreg:$0x1] =	wrdreg $0xFFFFFFFF  }
0xad: {  	[dreg:$0x0] =	wrdreg $0x60  }
0xae: {  	[dreg:$0x2] =	wrdreg s24  }
0xaf: {  	[dreg:$0x3] =	wrdreg $0x90000  }
0xb0: {  	[dreg:$0x4] =	wrdreg $0x9  }
0xb1: {  	_ =	task.clear_ibuf [dreg:s6], $0x5FFFF;
	_ =	strace $0x90000052  }
0xb2: {  	s29 =	simm.s32 $0x9;
	_ =	strace $0x80000054  }
0xb3: {  	_ =	swait.ge [sflag:s29], $0x1  }
0xb4: {  	[sflag:s29] =	ssyncadd.s32 $0xFFFFFFFF  }
0xb5: {  	_ =	strace $0x90000054  }
0xb6: {  	_ =	sfence  }
0xb7: {  	s30 =	sld [smem:$0x0];
	_ =	sdelay $0x2  }
0xb8: {  	s31 =	sshll.u32 s1, $0xD;
	s1 =	sshrl.u32 s1, $0x2  }
0xb9: {  	s3 =	sand.u32 $0x4000, s31;
	s1 =	sadd.s32 s1, s30  }
0xba: {  	s0 =	sor.u32 s3, s0;
	s1 =	sshll.u32 s1, $0x11  }
0xbb: {  	s0 =	sor.u32 s1, s0  }
0xbc: {  	s0 =	sadd.s32 $0x8F2B, s0  }
0xbd: {  	[sflag:s0] =	ssyncadd.remote.s32 $0x1  }
0xbe: {  	_ =	sfence.sel $0xFFFF  }
0xbf: {  	[dreg:$0x0] =	wrdreg $0xFFFFFFFF;
	(pc) =	sbr.abs _section_cstart, $3  }
0xc0: {  	[dreg:$0x1] =	wrdreg $0xFFFFFFFF  }
0xc1: {  	_ =	task.clear_ibuf [dreg:s6], $0x2FFFF;
	_ =	strace $0x9FFFFFFF  }
0xc2: {  	(tm) =	ssettm $0x7FFFFFFF  }
0xc3: {  	_ =	shalt  }
tec
execute0_lowered:
.L_overlay_start_1:
0x0: {  	(tag) =	ssettag $0x1  }
0x1: {  	s0 =	srdreg.scid;
	s6 =	rddreg [dreg:$0x0]  }
0x2: {  	s2 =	rddreg [dreg:$0x1];
	s5 =	sand.u32 $0x1, s0  }
0x3: {  	s0 =	stileid.u32;
	s4 =	smul.u32 $0x28000, s5  }
0x4: {  	s1 =	rddreg [dreg:$0x2];
	s3 =	simm.s32 $0x0;
	s7 =	smul.u32 $0x2800, s0  }
0x5: {  	s14 =	simm.s32 $0x80;
	s15 =	simm.s32 $0x5000;
	s8 =	smul.u32 $0x140000, s5  }
0x6: {  	s16 =	simm.s32 $0x0;
	[smem:$0x7FF] =	sst s3;
	s26 =	smul.u32 $0x14000, s0  }
0x7: {  	_ =	strace $0x80000053;
	s28 =	ssub.s32 $0x2, s5;
	s10 =	smul.u32 $0x50000, s0  }
0x8: {  	s5 =	sadd.s32 $0x7800, s6;
	s31 =	sshll.u32 s0, $0x6;
	s29 =	sshrl.u32 s28, $0x1  }
0x9: {  	s4 =	sadd.s32 s7, s4;
	s7 =	sadd.s32 s26, s8;
	s12 =	ssub.s32 s28, s29  }
0xa: {  	s30 =	sshrl.u32 s10, $0x2;
	s9 =	sshrl.u32 s4, $0x3;
	s4 =	sadd.s32 $0x2FC00, s6  }
0xb: {  	s7 =	sshrl.u32 s7, $0x3;
	s13 =	sadd.s32 s30, s2;
	s10 =	smax.u32 s12, $0x1  }
0xc: {  	s12 =	simm.s32 $0x1;
	s9 =	sadd.s32 s9, s6;
	s11 =	sadd.s32 s7, s6  }
0xd: {  	s6 =	sor.u32 $0x1C01, s31;
	s7 =	sadd.s32 $0x25C00, s9;
	s8 =	sadd.s32 $0x1BC00, s9  }
0xe: {  	s9 =	sadd.s32 $0x57C00, s11;
	s11 =	sshrl.u32 s13, $0x3;
	s13 =	simm.s32 $0x2800  }
.LBB2_1:
0xf: {  	[spmem:s11], [sflag:s6] =	dma.local [hbm:s5], $0x2800  }
0x10: {  	_ =	swait.ge [sflag:s12], $0x2800  }
0x11: {  	[sflag:s12] =	ssyncset.done $0x0  }
0x12: {  	[sflag:s12] =	ssyncadd.s32 $0xFFFFD800  }
0x13: {  	[tilespmem:s3], [sflag:$0x1] =	stream.linear.gather [hbm4b:s7+s3], $0x2780, $0x38;
	[tilespmem:$0x1D000] =	vst v63  }
0x14: {  	_ =	swait.ge [sflag:s12], $0x2780  }
0x15: {  	[sflag:s12] =	ssyncset.done $0x0  }
0x16: {  	[sflag:s12] =	ssyncadd.s32 $0xFFFFD880  }
0x17: {  	[tilespmem:s13], [sflag:$0x1] =	stream.linear.gather [hbm4b:s8+s3], $0x2780, $0x38;
	[tilespmem:$0x1D000] =	vst v63  }
0x18: {  	_ =	swait.ge [sflag:s12], $0x2780  }
0x19: {  	[sflag:s12] =	ssyncset.done $0x0  }
0x1a: {  	[sflag:s12] =	ssyncadd.s32 $0xFFFFD880  }
0x1b: {  	s17 =	simm.s32 $0x0;
	[bflag:$0x0] =	sbarrier.arrive $0xFFFF  }
0x1c: {  	[tilespmem:s15], [sflag:$0x1] =	stream.indirect.gather [hbm4b:s4+s14], $0x80, s17, s14, $0xb8;
	[tilespmem:$0x1D000] =	vst v63  }
0x1d: {  	_ =	swait.ge [sflag:s12], $0x4000  }
0x1e: {  	[sflag:s12] =	ssyncset.done $0x0  }
0x1f: {  	s31 =	simm.s32 $0x2800;
	[sflag:s12] =	ssyncadd.s32 $0xFFFFC000  }
0x20: {  	[spmem:s2] =	stream.indirect.scatter.add.f32 [tilespmem:s15], [sflag:$0x1], $0x80, s31, s14, $0xb8;
	[tilespmem:$0x1D000] =	vst v63  }
0x21: {  	_ =	swait.ge [sflag:s12], $0x4000  }
0x22: {  	s18 =	simm.s32 $0x400;
	s17 =	simm.s32 $0x200;
	[sflag:s12] =	ssyncset.done $0x0  }
.LBB2_2:
0x23: {  	s19 =	sshra.s32 s17, $0x2  }
0x24: {  	[sflag:s12] =	ssyncadd.s32 $0xFFFFC000;
	s17 =	smov.u32 s18;
	s20 =	sadd.s32 $0x200, s18  }
0x25: {  	[tilespmem:s15], [sflag:$0x1] =	stream.indirect.gather [hbm4b:s4+s14], $0x80, s19, s14, $0xb8;
	[tilespmem:$0x1D000] =	vst v63  }
0x26: {  	p0 =	sne.s32 s18, $0x9C00;
	_ =	swait.ge [sflag:s12], $0x4000  }
.Ltmp0:
0x27: {  	[sflag:s12] =	ssyncset.done $0x0;
	(pc) =	sbr.rel @p0 .LBB2_2-.Ltmp0, $4  }
0x28: {  	s18 =	sadd.s32 $0x2800, s19;
	[sflag:s12] =	ssyncadd.s32 $0xFFFFC000  }
0x29: {  	[spmem:s2] =	stream.indirect.scatter.add.f32 [tilespmem:s15], [sflag:$0x1], $0x80, s18, s14, $0xb8;
	[tilespmem:$0x1D000] =	vst v63  }
0x2a: {  	_ =	swait.ge [sflag:s12], $0x4000  }
0x2b: {  	s18 =	smov.u32 s20;
	[sflag:s12] =	ssyncset.done $0x0  }
0x2c: {  	s17 =	sshra.s32 s17, $0x2;
	[sflag:s12] =	ssyncadd.s32 $0xFFFFC000  }
0x2d: {  	[tilespmem:s15], [sflag:$0x1] =	stream.indirect.gather [hbm4b:s4+s14], $0x80, s17, s14, $0xb8;
	[tilespmem:$0x1D000] =	vst v63  }
0x2e: {  	_ =	swait.ge [sflag:s12], $0x4000  }
0x2f: {  	[sflag:s12] =	ssyncset.done $0x0  }
0x30: {  	s17 =	sadd.s32 $0x2800, s17;
	[sflag:s12] =	ssyncadd.s32 $0xFFFFC000  }
0x31: {  	[spmem:s2] =	stream.indirect.scatter.add.f32 [tilespmem:s15], [sflag:$0x1], $0x80, s17, s14, $0xb8;
	[tilespmem:$0x1D000] =	vst v63  }
0x32: {  	_ =	swait.ge [sflag:s12], $0x4000  }
0x33: {  	s16 =	sadd.s32 $0x1, s16;
	[sflag:s12] =	ssyncset.done $0x0  }
0x34: {  	p0 =	sne.s32 s16, s10;
	[sflag:s12] =	ssyncadd.s32 $0xFFFFC000  }
.Ltmp1:
0x35: {  	[bflag:$0x0] =	sbarrier.arrive $0xFFFF;
	(pc) =	sbr.rel @p0 .LBB2_1-.Ltmp1, $4  }
0x36: {  	[hbm:s9], [sflag:s6] =	dma.local [spmem:s11], $0x2800  }
0x37: {  	_ =	swait.ge [sflag:s12], $0x2800  }
0x38: {  	[sflag:s12] =	ssyncset.done $0x0  }
0x39: {  	[sflag:s12] =	ssyncadd.s32 $0xFFFFD800  }
0x3a: {  	_ =	sfence.sel $0x180000  }
0x3b: {  	[bflag:$0x0] =	sbarrier.arrive $0xFFFF  }
0x3c: {  	p0 =	sne.s32 s0, $0x0;
	_ =	strace $0x90000053  }
0x3d: {  	s0 =	sadd.s32 @!p0 $0x100000, s1;
	[bflag:$0x2] =	sbarrier.arrive $0xFFFF  }
0x3e: {  	[sflag:s0] =	ssyncadd.tile.s32 @!p0 $0x1;
	_ =	shalt  }
.Lfunc_end2:
_tile_overlayer_lowered:
.L_overlay_start_2:
0x3f: {  	(tag) =	ssettag $0x2  }
0x40: {  	s0 =	rddreg [dreg:$0x0];
	s2 =	stileid.u32  }
0x41: {  	s1 =	rddreg [dreg:$0x1];
	p0 =	sne.s32 s2, $0x0  }
0x42: {  	s3 =	rddreg [dreg:$0x2];
	[bflag:$0x3] =	sbarrier.arrive $0xFFFF;
	s2 =	simm.s32 @!p0 $0x1C01  }
0x43: {  	[timem:s3], [sflag:s2] =	dma.local @!p0 [hbm:s0], s1  }
0x44: {  	s0 =	simm.s32 @!p0 $0x1  }
0x45: {  	_ =	swait.ge @!p0 [sflag:s0], s1  }
0x46: {  	s1 =	ssub.s32 @!p0 $0x0, s1;
	[sflag:s0] =	ssyncset.done @!p0 $0x0  }
0x47: {  	[sflag:s0] =	ssyncadd.s32 @!p0 s1  }
0x48: {  	[bflag:$0x3] =	sbarrier.arrive $0xFFFF  }
0x49: {  	_ =	shalt  }

</sc_bundles>
